<compile_context>
chip_gen: v7x
topology: tpu7x:2x2x1
jax: 0.10.2.dev20260603
libtpu: 0.0.44.dev20260713+nightly
codegen_flags: <defaults>
</compile_context>

<pallas_src>
import jax
import jax.numpy as jnp
from jax import lax
from jax.experimental import pallas as pl
from jax.experimental.pallas import tpu as pltpu
from jax.experimental.pallas import tpu_sc as plsc

N = 10000
E = 320000
D = 128
H = 64
G = 128

NW = 32
CHUNK = 128
CPW = 80
EPAD = NW * CPW * CHUNK
NPAD = 10112
ACC = 10240
TPT = ACC // 16

_F32 = jnp.float32

_SC_MESH = plsc.VectorSubcoreMesh(core_axis_name="c", subcore_axis_name="s",
                                  num_cores=2, num_subcores=16)
_SC_PARAMS = pltpu.CompilerParams(use_tc_tiling_on_sc=False)


def _mm(a, b):
    return jax.lax.dot_general(a, b, (((1,), (0,)), ((), ())),
                               preferred_element_type=_F32,
                               precision=jax.lax.Precision.HIGHEST)



def _tc1_body(x_ref, wl_ref, wr_ref, p_ref, xr_ref):
    xb = x_ref[...]
    p_ref[...] = _mm(xb, wl_ref[...])
    xr_ref[...] = _mm(xb, wr_ref[...])


_tc1 = pl.pallas_call(
    _tc1_body,
    grid=(8,),
    in_specs=[
        pl.BlockSpec((1264, D), lambda i: (i, 0)),
        pl.BlockSpec((D, H), lambda i: (0, 0)),
        pl.BlockSpec((D, H), lambda i: (0, 0)),
    ],
    out_specs=[
        pl.BlockSpec((1264, H), lambda i: (i, 0)),
        pl.BlockSpec((1264, H), lambda i: (i, 0)),
    ],
    out_shape=[
        jax.ShapeDtypeStruct((NPAD, H), _F32),
        jax.ShapeDtypeStruct((NPAD, H), _F32),
    ],
)



def _sc_edge_body(p_hbm, srcm, dstm, out_s,
                  idxs, idxd, rows0, rows1, zbuf, tbl, acc,
                  semg0, semg1, sems0, sems1):
    cid = lax.axis_index("c")
    sid = lax.axis_index("s")
    wid = sid * 2 + cid
    base = sid * TPT

    zero16 = jnp.zeros((16,), _F32)

    def zfill(i, c):
        for j in range(4):
            zbuf[i, pl.ds(16 * j, 16)] = zero16
        return c

    lax.fori_loop(0, 64, zfill, 0)

    def zcopy(k, c):
        pltpu.sync_copy(zbuf, acc.at[pl.ds(base + k * 64, 64)])
        return c

    lax.fori_loop(0, TPT // 64, zcopy, 0)

    trows = NPAD // 16
    pltpu.sync_copy(p_hbm.at[pl.ds(sid * trows, trows)],
                    tbl.at[pl.ds(sid * trows, trows)])
    plsc.subcore_barrier()

    pltpu.sync_copy(srcm.at[wid], idxs)
    pltpu.sync_copy(dstm.at[wid], idxd)

    def gat(j, rows, sem):
        return pltpu.async_copy(tbl.at[idxs.at[j]], rows, sem)

    def gat_wait(j, rows, sem):
        pltpu.make_async_copy(tbl.at[idxs.at[j]], rows, sem).wait()

    def sca(j, rows, sem):
        return pltpu.async_copy(rows, acc.at[idxd.at[j]], sem, add=True)

    def sca_wait(j, rows, sem):
        pltpu.make_async_copy(rows, acc.at[idxd.at[j]], sem).wait()

    gat(0, rows0, semg0)
    gat(1, rows1, semg1)

    def edge_pair(k, c):
        j = 2 * k
        gat_wait(j, rows0, semg0)
        sca(j, rows0, sems0)
        gat_wait(j + 1, rows1, semg1)
        sca(j + 1, rows1, sems1)
        sca_wait(j, rows0, sems0)
        gat(j + 2, rows0, semg0)
        sca_wait(j + 1, rows1, sems1)
        gat(j + 3, rows1, semg1)
        return c

    lax.fori_loop(0, CPW // 2 - 1, edge_pair, 0)

    j = CPW - 2
    gat_wait(j, rows0, semg0)
    sca(j, rows0, sems0)
    gat_wait(j + 1, rows1, semg1)
    sca(j + 1, rows1, sems1)
    sca_wait(j, rows0, sems0)
    sca_wait(j + 1, rows1, sems1)

    plsc.subcore_barrier()
    pltpu.sync_copy(acc.at[pl.ds(base, TPT)], out_s.at[cid, pl.ds(base, TPT)])


_sc_edge = pl.kernel(
    _sc_edge_body,
    out_type=[jax.ShapeDtypeStruct((2, ACC, H), _F32)],
    mesh=_SC_MESH,
    scratch_types=[
        pltpu.VMEM((CPW, CHUNK), jnp.int32),
        pltpu.VMEM((CPW, CHUNK), jnp.int32),
        pltpu.VMEM((CHUNK, H), _F32),
        pltpu.VMEM((CHUNK, H), _F32),
        pltpu.VMEM((64, H), _F32),
        pltpu.VMEM_SHARED((NPAD, H), _F32),
        pltpu.VMEM_SHARED((ACC, H), _F32),
        pltpu.SemaphoreType.DMA,
        pltpu.SemaphoreType.DMA,
        pltpu.SemaphoreType.DMA,
        pltpu.SemaphoreType.DMA,
    ],
    compiler_params=_SC_PARAMS,
)



def _sc_count_body(dstm, out_c, idxd, ones_v, zbufc, cacc, semc0, semc1):
    cid = lax.axis_index("c")
    sid = lax.axis_index("s")
    wid = sid * 2 + cid
    base = sid * TPT

    zero16 = jnp.zeros((16,), _F32)
    one16 = jnp.ones((16,), _F32)

    def zfill(i, c):
        zbufc[i, pl.ds(0, 16)] = zero16
        ones_v[i, pl.ds(0, 16)] = one16
        ones_v[i + 64, pl.ds(0, 16)] = one16
        return c

    lax.fori_loop(0, 64, zfill, 0)

    def zcopy(k, c):
        pltpu.sync_copy(zbufc, cacc.at[pl.ds(base + k * 64, 64)])
        return c

    lax.fori_loop(0, TPT // 64, zcopy, 0)
    plsc.subcore_barrier()

    pltpu.sync_copy(dstm.at[wid], idxd)

    def cnt(j, sem):
        return pltpu.async_copy(ones_v, cacc.at[idxd.at[j]], sem, add=True)

    def cnt_wait(j, sem):
        pltpu.make_async_copy(ones_v, cacc.at[idxd.at[j]], sem).wait()

    cnt(0, semc0)
    cnt(1, semc1)

    def pair(k, c):
        j = 2 * k
        cnt_wait(j, semc0)
        cnt(j + 2, semc0)
        cnt_wait(j + 1, semc1)
        cnt(j + 3, semc1)
        return c

    lax.fori_loop(0, CPW // 2 - 1, pair, 0)
    cnt_wait(CPW - 2, semc0)
    cnt_wait(CPW - 1, semc1)

    plsc.subcore_barrier()
    pltpu.sync_copy(cacc.at[pl.ds(base, TPT)],
                    out_c.at[cid, pl.ds(base, TPT)])


_sc_count = pl.kernel(
    _sc_count_body,
    out_type=[jax.ShapeDtypeStruct((2, ACC, 16), _F32)],
    mesh=_SC_MESH,
    scratch_types=[
        pltpu.VMEM((CPW, CHUNK), jnp.int32),
        pltpu.VMEM((CHUNK, 16), _F32),
        pltpu.VMEM((64, 16), _F32),
        pltpu.VMEM_SHARED((ACC, 16), _F32),
        pltpu.SemaphoreType.DMA,
        pltpu.SemaphoreType.DMA,
    ],
    compiler_params=_SC_PARAMS,
)



def _mid_body(s_ref, c_ref, xr_ref, b1_ref, wl_ref, wr_ref, p2_ref, h1r_ref):
    s = s_ref[0] + s_ref[1]
    cnt = c_ref[0, :, 0:1] + c_ref[1, :, 0:1]
    h1 = jnp.maximum(s / jnp.maximum(cnt, 1.0) + xr_ref[...] + b1_ref[...],
                     0.0)
    p2_ref[...] = _mm(h1, wl_ref[...])
    h1r_ref[...] = _mm(h1, wr_ref[...])


_tc_mid = pl.pallas_call(
    _mid_body,
    grid=(8,),
    in_specs=[
        pl.BlockSpec((2, 1264, H), lambda i: (0, i, 0)),
        pl.BlockSpec((2, 1264, 16), lambda i: (0, i, 0)),
        pl.BlockSpec((1264, H), lambda i: (i, 0)),
        pl.BlockSpec((1, H), lambda i: (0, 0)),
        pl.BlockSpec((H, H), lambda i: (0, 0)),
        pl.BlockSpec((H, H), lambda i: (0, 0)),
    ],
    out_specs=[
        pl.BlockSpec((1264, H), lambda i: (i, 0)),
        pl.BlockSpec((1264, H), lambda i: (i, 0)),
    ],
    out_shape=[
        jax.ShapeDtypeStruct((NPAD, H), _F32),
        jax.ShapeDtypeStruct((NPAD, H), _F32),
    ],
)



def _post_body(s_ref, c_ref, h1r_ref, b2_ref, bat_ref, wo_ref, bo_ref,
               out_ref, psum, pcnt):
    i = pl.program_id(0)
    s = s_ref[0] + s_ref[1]
    cnt = c_ref[0, :, 0:1] + c_ref[1, :, 0:1]
    h2 = jnp.maximum(s / jnp.maximum(cnt, 1.0) + h1r_ref[...] + b2_ref[...],
                     0.0)
    bcol = bat_ref[...]
    gids = jax.lax.broadcasted_iota(jnp.int32, (1, G), 1).astype(_F32)
    onehot = (bcol == gids).astype(_F32)
    ps = jax.lax.dot_general(onehot, h2, (((0,), (0,)), ((), ())),
                             preferred_element_type=_F32,
                             precision=jax.lax.Precision.HIGHEST)
    ones_col = jnp.ones_like(bcol)
    pc = jax.lax.dot_general(onehot, ones_col, (((0,), (0,)), ((), ())),
                             preferred_element_type=_F32,
                             precision=jax.lax.Precision.HIGHEST)

    @pl.when(i == 0)
    def _():
        psum[...] = ps
        pcnt[...] = pc

    @pl.when(i > 0)
    def _():
        psum[...] += ps
        pcnt[...] += pc

    @pl.when(i == 9)
    def _():
        pooled = psum[...] / jnp.maximum(pcnt[...], 1.0)
        out_ref[...] = _mm(pooled, wo_ref[...]) + bo_ref[...]


_tc_post = pl.pallas_call(
    _post_body,
    grid=(10,),
    in_specs=[
        pl.BlockSpec((2, 1000, H), lambda i: (0, i, 0)),
        pl.BlockSpec((2, 1000, 16), lambda i: (0, i, 0)),
        pl.BlockSpec((1000, H), lambda i: (i, 0)),
        pl.BlockSpec((1, H), lambda i: (0, 0)),
        pl.BlockSpec((1000, 1), lambda i: (i, 0)),
        pl.BlockSpec((H, 2), lambda i: (0, 0)),
        pl.BlockSpec((1, 2), lambda i: (0, 0)),
    ],
    out_specs=pl.BlockSpec((G, 2), lambda i: (0, 0)),
    out_shape=jax.ShapeDtypeStruct((G, 2), _F32),
    scratch_shapes=[
        pltpu.VMEM((G, H), _F32),
        pltpu.VMEM((G, 1), _F32),
    ],
)


def kernel(x, edge_index, batch, W1_l, b1, W1_r, W2_l, b2, W2_r, W_out, b_out):
    src = edge_index[0]
    dst = edge_index[1]
    srcm = (jnp.full((EPAD,), N, jnp.int32).at[:E].set(src)
            .reshape(NW, CPW, CHUNK))
    dstm = (jnp.full((EPAD,), N, jnp.int32).at[:E].set(dst)
            .reshape(NW, CPW, CHUNK))
    bat_f = batch.astype(_F32).reshape(N, 1)

    (c1,) = _sc_count(dstm)
    p1, xr = _tc1(x, W1_l, W1_r)
    (s1,) = _sc_edge(p1, srcm, dstm)
    p2, h1r = _tc_mid(s1, c1, xr, b1.reshape(1, H), W2_l, W2_r)
    (s2,) = _sc_edge(p2, srcm, dstm)
    return _tc_post(s2, c1, h1r, b2.reshape(1, H), bat_f,
                    W_out, b_out.reshape(1, 2))

# --- scband reference (transcript-rebuilt; emitter-appended) ---
"""Pipeline reference for scband-jet-gnn-2765958938745 (READ-ONLY COPY).

The authoritative reference and input builder live on the scoring server;
editing this copy changes nothing except your own understanding.
"""

import jax, jax.numpy as jnp
import numpy as np

N = 10000
E = 320000
D = 128
H = 64
G = 128

def setup_inputs(seed: int = 0) -> dict:
    key = jax.random.key(seed)
    ks = jax.random.split(key, 12)
    x = jax.random.normal(ks[0], (N, D), dtype=jnp.float32)
    edge_index = jax.random.randint(ks[1], (2, E), 0, N, dtype=jnp.int32)
    batch = jnp.sort(jax.random.randint(ks[2], (N,), 0, G, dtype=jnp.int32))
    def glorot(k, fan_in, fan_out):
        s = 1.0 / np.sqrt(fan_in)
        return jax.random.uniform(k, (fan_in, fan_out), dtype=jnp.float32, minval=-s, maxval=s)
    W1_l = glorot(ks[3], D, H)
    b1 = jnp.zeros((H,), dtype=jnp.float32)
    W1_r = glorot(ks[4], D, H)
    W2_l = glorot(ks[5], H, H)
    b2 = jnp.zeros((H,), dtype=jnp.float32)
    W2_r = glorot(ks[6], H, H)
    W_out = glorot(ks[7], H, 2)
    b_out = jnp.zeros((2,), dtype=jnp.float32)
    return {"x": x, "edge_index": edge_index, "batch": batch,
            "W1_l": W1_l, "b1": b1, "W1_r": W1_r,
            "W2_l": W2_l, "b2": b2, "W2_r": W2_r,
            "W_out": W_out, "b_out": b_out}

def _sage_conv(x, edge_index, W_l, b_l, W_r):
    # PyG SAGEConv (aggr='mean'): out = lin_l(mean_j x_j) + lin_r(x_i)
    src = edge_index[0]
    dst = edge_index[1]
    msg = jnp.take(x, src, axis=0)
    agg_sum = jax.ops.segment_sum(msg, dst, num_segments=x.shape[0])
    cnt = jax.ops.segment_sum(jnp.ones((edge_index.shape[1], 1), x.dtype), dst, num_segments=x.shape[0])
    agg_mean = agg_sum / jnp.clip(cnt, 1.0)
    return agg_mean @ W_l + b_l + x @ W_r

def reference(x, edge_index, batch, W1_l, b1, W1_r, W2_l, b2, W2_r, W_out, b_out):
    h = jax.nn.relu(_sage_conv(x, edge_index, W1_l, b1, W1_r))
    h = jax.nn.relu(_sage_conv(h, edge_index, W2_l, b2, W2_r))
    pooled_sum = jax.ops.segment_sum(h, batch, num_segments=G)
    pooled_cnt = jax.ops.segment_sum(jnp.ones((h.shape[0], 1), h.dtype), batch, num_segments=G)
    pooled = pooled_sum / jnp.clip(pooled_cnt, 1.0)
    return pooled @ W_out + b_out

if __name__ == "__main__":
    import jax
    _d = setup_inputs()
    print(jax.jit(kernel)(*tuple(_d.values())))

</pallas_src>

<mosaic_0001>
#map = affine_map<(d0, d1) -> (0, 0, 0)>
module attributes {stable_mosaic.version = 14 : i64} {
  func.func @_sc_count_body(%arg0: i32, %arg1: i32, %arg2: memref<32x80x128xi32, #tpu.memory_space<hbm>>, %arg3: memref<2x10240x16xf32, #tpu.memory_space<hbm>>, %arg4: memref<80x128xi32, #tpu.memory_space<vmem>>, %arg5: memref<128x16xf32, #tpu.memory_space<vmem>>, %arg6: memref<64x16xf32, #tpu.memory_space<vmem>>, %arg7: memref<10240x16xf32, #tpu.memory_space<vmem_shared>>, %arg8: memref<!tpu.dma_semaphore, #tpu.memory_space<semaphore_mem>>, %arg9: memref<!tpu.dma_semaphore, #tpu.memory_space<semaphore_mem>>) attributes {dimension_semantics = [#tpu.dimension_semantics<core_parallel>, #tpu.dimension_semantics<subcore_parallel>], iteration_bounds = array<i64: 2, 16>, scalar_prefetch = 0 : i64, scratch_operands = 6 : i64, tpu.core_type = #tpu.core_type<sc_vector_subcore>, window_params = [{transform_indices = #map}, {transform_indices = #map}]} {
    %mul3A = arith.constant 2 : i32
    %mul3A_0 = arith.muli %arg1, %mul3A : i32
    %add3A = arith.addi %mul3A_0, %arg0 : i32
    %mul3A_1 = arith.constant 640 : i32
    %mul3A_2 = arith.muli %arg1, %mul3A_1 : i32
    %broadcast_in_dim3A = arith.constant 0.000000e+00 : f32
    %broadcast_in_dim3A_3 = vector.broadcast %broadcast_in_dim3A : f32 to vector<16xf32>
    %broadcast_in_dim3A_4 = arith.constant 1.000000e+00 : f32
    %broadcast_in_dim3A_5 = vector.broadcast %broadcast_in_dim3A_4 : f32 to vector<16xf32>
    %scan3A = arith.constant 0 : i32
    %scan3A_6 = arith.constant 0 : i32
    %scan3A_7 = arith.constant 64 : i32
    %scan3A_8 = arith.addi %scan3A_6, %scan3A_7 : i32
    %scan3A_9 = arith.constant 1 : i32
    scf.for %scan3A_50 = %scan3A_6 to %scan3A_8 step %scan3A_9  : i32 {
      %swap3A = arith.index_cast %scan3A_50 : i32 to index
      %swap3A_51 = arith.constant 0 : index
      %swap3A_52 = tpu.vector_load %arg6[%swap3A, %swap3A_51] {strides = array<i32>} : memref<64x16xf32, #tpu.memory_space<vmem>>, vector<1x16xf32>,
      %swap3A_53 = vector.shape_cast %swap3A_52 : vector<1x16xf32> to vector<16xf32>
      %swap3A_54 = vector.shape_cast %broadcast_in_dim3A_3 : vector<16xf32> to vector<1x16xf32>
      tpu.vector_store %arg6[%swap3A, %swap3A_51], %swap3A_54 {strides = array<i32>} : memref<64x16xf32, #tpu.memory_space<vmem>>, vector<1x16xf32>,
      %swap3A_55 = arith.index_cast %scan3A_50 : i32 to index
      %swap3A_56 = arith.constant 0 : index
      %swap3A_57 = tpu.vector_load %arg5[%swap3A_55, %swap3A_56] {strides = array<i32>} : memref<128x16xf32, #tpu.memory_space<vmem>>, vector<1x16xf32>,
      %swap3A_58 = vector.shape_cast %swap3A_57 : vector<1x16xf32> to vector<16xf32>
      %swap3A_59 = vector.shape_cast %broadcast_in_dim3A_5 : vector<16xf32> to vector<1x16xf32>
      tpu.vector_store %arg5[%swap3A_55, %swap3A_56], %swap3A_59 {strides = array<i32>} : memref<128x16xf32, #tpu.memory_space<vmem>>, vector<1x16xf32>,
      %add3A_60 = arith.constant 64 : i32
      %add3A_61 = arith.addi %scan3A_50, %add3A_60 : i32
      %swap3A_62 = arith.index_cast %add3A_61 : i32 to index
      %swap3A_63 = arith.constant 0 : index
      %swap3A_64 = tpu.vector_load %arg5[%swap3A_62, %swap3A_63] {strides = array<i32>} : memref<128x16xf32, #tpu.memory_space<vmem>>, vector<1x16xf32>,
      %swap3A_65 = vector.shape_cast %swap3A_64 : vector<1x16xf32> to vector<16xf32>
      %swap3A_66 = vector.shape_cast %broadcast_in_dim3A_5 : vector<16xf32> to vector<1x16xf32>
      tpu.vector_store %arg5[%swap3A_62, %swap3A_63], %swap3A_66 {strides = array<i32>} : memref<128x16xf32, #tpu.memory_space<vmem>>, vector<1x16xf32>,
    }
    %scan3A_10 = arith.constant 64 : i32
    %scan3A_11 = arith.constant 0 : i32
    %scan3A_12 = arith.constant 0 : i32
    %scan3A_13 = arith.constant 10 : i32
    %scan3A_14 = arith.addi %scan3A_12, %scan3A_13 : i32
    %scan3A_15 = arith.constant 1 : i32
    scf.for %scan3A_50 = %scan3A_12 to %scan3A_14 step %scan3A_15  : i32 {
      %mul3A_51 = arith.constant 64 : i32
      %mul3A_52 = arith.muli %scan3A_50, %mul3A_51 : i32
      %add3A_53 = arith.addi %mul3A_2, %mul3A_52 : i32
      "tpu.region"() ({
        %run_scoped3A = tpu.sem_alloc : memref<!tpu.dma_semaphore, #tpu.memory_space<semaphore_mem>>
        %dma_start3A_54 = arith.constant 0 : i32
        %dma_start3A_55 = tpu.memref_slice %arg7[%add3A_53, %dma_start3A_54] : memref<10240x16xf32, #tpu.memory_space<vmem_shared>> -> memref<64x16xf32, #tpu.memory_space<vmem_shared>>
        %dma_start3A_56 = arith.constant 0 : i32
        %dma_start3A_57 = tpu.memref_slice %arg7[%add3A_53, %dma_start3A_56] : memref<10240x16xf32, #tpu.memory_space<vmem_shared>> -> memref<64x16xf32, #tpu.memory_space<vmem_shared>>
        tpu.enqueue_dma source(%arg6 : memref<64x16xf32, #tpu.memory_space<vmem>>) target(%dma_start3A_57 : memref<64x16xf32, #tpu.memory_space<vmem_shared>>) target_semaphore(%run_scoped3A : memref<!tpu.dma_semaphore, #tpu.memory_space<semaphore_mem>>)
        %dma_wait3A_58 = arith.constant 0 : i32
        %dma_wait3A_59 = tpu.memref_slice %arg7[%add3A_53, %dma_wait3A_58] : memref<10240x16xf32, #tpu.memory_space<vmem_shared>> -> memref<64x16xf32, #tpu.memory_space<vmem_shared>>
        %dma_wait3A_60 = arith.constant 0 : i32
        %dma_wait3A_61 = tpu.memref_slice %arg7[%add3A_53, %dma_wait3A_60] : memref<10240x16xf32, #tpu.memory_space<vmem_shared>> -> memref<64x16xf32, #tpu.memory_space<vmem_shared>>
        tpu.wait_dma2 semaphore(%run_scoped3A : memref<!tpu.dma_semaphore, #tpu.memory_space<semaphore_mem>>) src(%arg6 : memref<64x16xf32, #tpu.memory_space<vmem>>) dst(%dma_wait3A_61 : memref<64x16xf32, #tpu.memory_space<vmem_shared>>)
        tpu.yield
      }) : () -> ()
    }
    %scan3A_16 = arith.constant 10 : i32
    %barrier3A = arith.constant 0 : index
    tpu.barrier barrier_id(%barrier3A)
    "tpu.region"() ({
      %run_scoped3A = tpu.sem_alloc : memref<!tpu.dma_semaphore, #tpu.memory_space<semaphore_mem>>
      %dma_start3A_50 = arith.constant 0 : i32
      %dma_start3A_51 = arith.constant 0 : i32
      %dma_start3A_52 = tpu.memref_slice %arg2[%add3A, %dma_start3A_50, %dma_start3A_51] : memref<32x80x128xi32, #tpu.memory_space<hbm>> -> memref<1x80x128xi32, #tpu.memory_space<hbm>>
      %dma_start3A_53 = tpu.memref_squeeze %dma_start3A_52 : memref<1x80x128xi32, #tpu.memory_space<hbm>> -> memref<80x128xi32, #tpu.memory_space<hbm>>
      %dma_start3A_54 = arith.constant 0 : i32
      %dma_start3A_55 = arith.constant 0 : i32
      %dma_start3A_56 = tpu.memref_slice %arg2[%add3A, %dma_start3A_54, %dma_start3A_55] : memref<32x80x128xi32, #tpu.memory_space<hbm>> -> memref<1x80x128xi32, #tpu.memory_space<hbm>>
      %dma_start3A_57 = tpu.memref_squeeze %dma_start3A_56 : memref<1x80x128xi32, #tpu.memory_space<hbm>> -> memref<80x128xi32, #tpu.memory_space<hbm>>
      tpu.enqueue_dma source(%dma_start3A_57 : memref<80x128xi32, #tpu.memory_space<hbm>>) target(%arg4 : memref<80x128xi32, #tpu.memory_space<vmem>>) target_semaphore(%run_scoped3A : memref<!tpu.dma_semaphore, #tpu.memory_space<semaphore_mem>>)
      %dma_wait3A_58 = arith.constant 0 : i32
      %dma_wait3A_59 = arith.constant 0 : i32
      %dma_wait3A_60 = tpu.memref_slice %arg2[%add3A, %dma_wait3A_58, %dma_wait3A_59] : memref<32x80x128xi32, #tpu.memory_space<hbm>> -> memref<1x80x128xi32, #tpu.memory_space<hbm>>
      %dma_wait3A_61 = tpu.memref_squeeze %dma_wait3A_60 : memref<1x80x128xi32, #tpu.memory_space<hbm>> -> memref<80x128xi32, #tpu.memory_space<hbm>>
      %dma_wait3A_62 = arith.constant 0 : i32
      %dma_wait3A_63 = arith.constant 0 : i32
      %dma_wait3A_64 = tpu.memref_slice %arg2[%add3A, %dma_wait3A_62, %dma_wait3A_63] : memref<32x80x128xi32, #tpu.memory_space<hbm>> -> memref<1x80x128xi32, #tpu.memory_space<hbm>>
      %dma_wait3A_65 = tpu.memref_squeeze %dma_wait3A_64 : memref<1x80x128xi32, #tpu.memory_space<hbm>> -> memref<80x128xi32, #tpu.memory_space<hbm>>
      tpu.wait_dma2 semaphore(%run_scoped3A : memref<!tpu.dma_semaphore, #tpu.memory_space<semaphore_mem>>) src(%dma_wait3A_65 : memref<80x128xi32, #tpu.memory_space<hbm>>) dst(%arg4 : memref<80x128xi32, #tpu.memory_space<vmem>>)
      tpu.yield
    }) : () -> ()
    %dma_start3A = arith.constant 0 : i32
    %dma_start3A_17 = arith.constant 0 : i32
    %dma_start3A_18 = tpu.memref_slice %arg4[%dma_start3A, %dma_start3A_17] : memref<80x128xi32, #tpu.memory_space<vmem>> -> memref<1x128xi32, #tpu.memory_space<vmem>>
    %dma_start3A_19 = tpu.memref_squeeze %dma_start3A_18 : memref<1x128xi32, #tpu.memory_space<vmem>> -> memref<128xi32, #tpu.memory_space<vmem>>
    %dma_start3A_20 = arith.constant 0 : i32
    %dma_start3A_21 = arith.constant 0 : i32
    %dma_start3A_22 = tpu.memref_slice %arg7[%dma_start3A_20, %dma_start3A_21] : memref<10240x16xf32, #tpu.memory_space<vmem_shared>> -> memref<10240x16xf32, #tpu.memory_space<vmem_shared>>
    tpu.enqueue_indirect_dma source(%arg5 : memref<128x16xf32, #tpu.memory_space<vmem>>) target(%dma_start3A_22 : memref<10240x16xf32, #tpu.memory_space<vmem_shared>>) offsets(%dma_start3A_19 : memref<128xi32, #tpu.memory_space<vmem>>) semaphore(%arg8 : memref<!tpu.dma_semaphore, #tpu.memory_space<semaphore_mem>>) {add = true}
    %dma_start3A_23 = arith.constant 1 : i32
    %dma_start3A_24 = arith.constant 0 : i32
    %dma_start3A_25 = tpu.memref_slice %arg4[%dma_start3A_23, %dma_start3A_24] : memref<80x128xi32, #tpu.memory_space<vmem>> -> memref<1x128xi32, #tpu.memory_space<vmem>>
    %dma_start3A_26 = tpu.memref_squeeze %dma_start3A_25 : memref<1x128xi32, #tpu.memory_space<vmem>> -> memref<128xi32, #tpu.memory_space<vmem>>
    %dma_start3A_27 = arith.constant 0 : i32
    %dma_start3A_28 = arith.constant 0 : i32
    %dma_start3A_29 = tpu.memref_slice %arg7[%dma_start3A_27, %dma_start3A_28] : memref<10240x16xf32, #tpu.memory_space<vmem_shared>> -> memref<10240x16xf32, #tpu.memory_space<vmem_shared>>
    tpu.enqueue_indirect_dma source(%arg5 : memref<128x16xf32, #tpu.memory_space<vmem>>) target(%dma_start3A_29 : memref<10240x16xf32, #tpu.memory_space<vmem_shared>>) offsets(%dma_start3A_26 : memref<128xi32, #tpu.memory_space<vmem>>) semaphore(%arg9 : memref<!tpu.dma_semaphore, #tpu.memory_space<semaphore_mem>>) {add = true}
    %scan3A_30 = arith.constant 0 : i32
    %scan3A_31 = arith.constant 0 : i32
    %scan3A_32 = arith.constant 39 : i32
    %scan3A_33 = arith.addi %scan3A_31, %scan3A_32 : i32
    %scan3A_34 = arith.constant 1 : i32
    scf.for %scan3A_50 = %scan3A_31 to %scan3A_33 step %scan3A_34  : i32 {
      %mul3A_51 = arith.constant 2 : i32
      %mul3A_52 = arith.muli %mul3A_51, %scan3A_50 : i32
      %dma_wait3A_53 = arith.constant 0 : i32
      %dma_wait3A_54 = tpu.memref_slice %arg4[%mul3A_52, %dma_wait3A_53] : memref<80x128xi32, #tpu.memory_space<vmem>> -> memref<1x128xi32, #tpu.memory_space<vmem>>
      %dma_wait3A_55 = tpu.memref_squeeze %dma_wait3A_54 : memref<1x128xi32, #tpu.memory_space<vmem>> -> memref<128xi32, #tpu.memory_space<vmem>>
      %dma_wait3A_56 = arith.constant 0 : i32
      %dma_wait3A_57 = arith.constant 0 : i32
      %dma_wait3A_58 = tpu.memref_slice %arg7[%dma_wait3A_56, %dma_wait3A_57] : memref<10240x16xf32, #tpu.memory_space<vmem_shared>> -> memref<10240x16xf32, #tpu.memory_space<vmem_shared>>
      tpu.wait_indirect_dma semaphore(%arg8 : memref<!tpu.dma_semaphore, #tpu.memory_space<semaphore_mem>>) src(%arg5 : memref<128x16xf32, #tpu.memory_space<vmem>>) dst(%dma_wait3A_58 : memref<10240x16xf32, #tpu.memory_space<vmem_shared>>)
      %add3A_59 = arith.constant 2 : i32
      %add3A_60 = arith.addi %mul3A_52, %add3A_59 : i32
      %dma_start3A_61 = arith.constant 0 : i32
      %dma_start3A_62 = tpu.memref_slice %arg4[%add3A_60, %dma_start3A_61] : memref<80x128xi32, #tpu.memory_space<vmem>> -> memref<1x128xi32, #tpu.memory_space<vmem>>
      %dma_start3A_63 = tpu.memref_squeeze %dma_start3A_62 : memref<1x128xi32, #tpu.memory_space<vmem>> -> memref<128xi32, #tpu.memory_space<vmem>>
      %dma_start3A_64 = arith.constant 0 : i32
      %dma_start3A_65 = arith.constant 0 : i32
      %dma_start3A_66 = tpu.memref_slice %arg7[%dma_start3A_64, %dma_start3A_65] : memref<10240x16xf32, #tpu.memory_space<vmem_shared>> -> memref<10240x16xf32, #tpu.memory_space<vmem_shared>>
      tpu.enqueue_indirect_dma source(%arg5 : memref<128x16xf32, #tpu.memory_space<vmem>>) target(%dma_start3A_66 : memref<10240x16xf32, #tpu.memory_space<vmem_shared>>) offsets(%dma_start3A_63 : memref<128xi32, #tpu.memory_space<vmem>>) semaphore(%arg8 : memref<!tpu.dma_semaphore, #tpu.memory_space<semaphore_mem>>) {add = true}
      %add3A_67 = arith.constant 1 : i32
      %add3A_68 = arith.addi %mul3A_52, %add3A_67 : i32
      %dma_wait3A_69 = arith.constant 0 : i32
      %dma_wait3A_70 = tpu.memref_slice %arg4[%add3A_68, %dma_wait3A_69] : memref<80x128xi32, #tpu.memory_space<vmem>> -> memref<1x128xi32, #tpu.memory_space<vmem>>
      %dma_wait3A_71 = tpu.memref_squeeze %dma_wait3A_70 : memref<1x128xi32, #tpu.memory_space<vmem>> -> memref<128xi32, #tpu.memory_space<vmem>>
      %dma_wait3A_72 = arith.constant 0 : i32
      %dma_wait3A_73 = arith.constant 0 : i32
      %dma_wait3A_74 = tpu.memref_slice %arg7[%dma_wait3A_72, %dma_wait3A_73] : memref<10240x16xf32, #tpu.memory_space<vmem_shared>> -> memref<10240x16xf32, #tpu.memory_space<vmem_shared>>
      tpu.wait_indirect_dma semaphore(%arg9 : memref<!tpu.dma_semaphore, #tpu.memory_space<semaphore_mem>>) src(%arg5 : memref<128x16xf32, #tpu.memory_space<vmem>>) dst(%dma_wait3A_74 : memref<10240x16xf32, #tpu.memory_space<vmem_shared>>)
      %add3A_75 = arith.constant 3 : i32
      %add3A_76 = arith.addi %mul3A_52, %add3A_75 : i32
      %dma_start3A_77 = arith.constant 0 : i32
      %dma_start3A_78 = tpu.memref_slice %arg4[%add3A_76, %dma_start3A_77] : memref<80x128xi32, #tpu.memory_space<vmem>> -> memref<1x128xi32, #tpu.memory_space<vmem>>
      %dma_start3A_79 = tpu.memref_squeeze %dma_start3A_78 : memref<1x128xi32, #tpu.memory_space<vmem>> -> memref<128xi32, #tpu.memory_space<vmem>>
      %dma_start3A_80 = arith.constant 0 : i32
      %dma_start3A_81 = arith.constant 0 : i32
      %dma_start3A_82 = tpu.memref_slice %arg7[%dma_start3A_80, %dma_start3A_81] : memref<10240x16xf32, #tpu.memory_space<vmem_shared>> -> memref<10240x16xf32, #tpu.memory_space<vmem_shared>>
      tpu.enqueue_indirect_dma source(%arg5 : memref<128x16xf32, #tpu.memory_space<vmem>>) target(%dma_start3A_82 : memref<10240x16xf32, #tpu.memory_space<vmem_shared>>) offsets(%dma_start3A_79 : memref<128xi32, #tpu.memory_space<vmem>>) semaphore(%arg9 : memref<!tpu.dma_semaphore, #tpu.memory_space<semaphore_mem>>) {add = true}
    }
    %scan3A_35 = arith.constant 39 : i32
    %dma_wait3A = arith.constant 78 : i32
    %dma_wait3A_36 = arith.constant 0 : i32
    %dma_wait3A_37 = tpu.memref_slice %arg4[%dma_wait3A, %dma_wait3A_36] : memref<80x128xi32, #tpu.memory_space<vmem>> -> memref<1x128xi32, #tpu.memory_space<vmem>>
    %dma_wait3A_38 = tpu.memref_squeeze %dma_wait3A_37 : memref<1x128xi32, #tpu.memory_space<vmem>> -> memref<128xi32, #tpu.memory_space<vmem>>
    %dma_wait3A_39 = arith.constant 0 : i32
    %dma_wait3A_40 = arith.constant 0 : i32
    %dma_wait3A_41 = tpu.memref_slice %arg7[%dma_wait3A_39, %dma_wait3A_40] : memref<10240x16xf32, #tpu.memory_space<vmem_shared>> -> memref<10240x16xf32, #tpu.memory_space<vmem_shared>>
    tpu.wait_indirect_dma semaphore(%arg8 : memref<!tpu.dma_semaphore, #tpu.memory_space<semaphore_mem>>) src(%arg5 : memref<128x16xf32, #tpu.memory_space<vmem>>) dst(%dma_wait3A_41 : memref<10240x16xf32, #tpu.memory_space<vmem_shared>>)
    %dma_wait3A_42 = arith.constant 79 : i32
    %dma_wait3A_43 = arith.constant 0 : i32
    %dma_wait3A_44 = tpu.memref_slice %arg4[%dma_wait3A_42, %dma_wait3A_43] : memref<80x128xi32, #tpu.memory_space<vmem>> -> memref<1x128xi32, #tpu.memory_space<vmem>>
    %dma_wait3A_45 = tpu.memref_squeeze %dma_wait3A_44 : memref<1x128xi32, #tpu.memory_space<vmem>> -> memref<128xi32, #tpu.memory_space<vmem>>
    %dma_wait3A_46 = arith.constant 0 : i32
    %dma_wait3A_47 = arith.constant 0 : i32
    %dma_wait3A_48 = tpu.memref_slice %arg7[%dma_wait3A_46, %dma_wait3A_47] : memref<10240x16xf32, #tpu.memory_space<vmem_shared>> -> memref<10240x16xf32, #tpu.memory_space<vmem_shared>>
    tpu.wait_indirect_dma semaphore(%arg9 : memref<!tpu.dma_semaphore, #tpu.memory_space<semaphore_mem>>) src(%arg5 : memref<128x16xf32, #tpu.memory_space<vmem>>) dst(%dma_wait3A_48 : memref<10240x16xf32, #tpu.memory_space<vmem_shared>>)
    %barrier3A_49 = arith.constant 0 : index
    tpu.barrier barrier_id(%barrier3A_49)
    "tpu.region"() ({
      %run_scoped3A = tpu.sem_alloc : memref<!tpu.dma_semaphore, #tpu.memory_space<semaphore_mem>>
      %dma_start3A_50 = arith.constant 0 : i32
      %dma_start3A_51 = tpu.memref_slice %arg3[%arg0, %mul3A_2, %dma_start3A_50] : memref<2x10240x16xf32, #tpu.memory_space<hbm>> -> memref<1x640x16xf32, #tpu.memory_space<hbm>>
      %dma_start3A_52 = tpu.memref_squeeze %dma_start3A_51 : memref<1x640x16xf32, #tpu.memory_space<hbm>> -> memref<640x16xf32, #tpu.memory_space<hbm>>
      %dma_start3A_53 = arith.constant 0 : i32
      %dma_start3A_54 = tpu.memref_slice %arg7[%mul3A_2, %dma_start3A_53] : memref<10240x16xf32, #tpu.memory_space<vmem_shared>> -> memref<640x16xf32, #tpu.memory_space<vmem_shared>>
      tpu.enqueue_dma source(%dma_start3A_54 : memref<640x16xf32, #tpu.memory_space<vmem_shared>>) target(%dma_start3A_52 : memref<640x16xf32, #tpu.memory_space<hbm>>) target_semaphore(%run_scoped3A : memref<!tpu.dma_semaphore, #tpu.memory_space<semaphore_mem>>)
      %dma_wait3A_55 = arith.constant 0 : i32
      %dma_wait3A_56 = tpu.memref_slice %arg3[%arg0, %mul3A_2, %dma_wait3A_55] : memref<2x10240x16xf32, #tpu.memory_space<hbm>> -> memref<1x640x16xf32, #tpu.memory_space<hbm>>
      %dma_wait3A_57 = tpu.memref_squeeze %dma_wait3A_56 : memref<1x640x16xf32, #tpu.memory_space<hbm>> -> memref<640x16xf32, #tpu.memory_space<hbm>>
      %dma_wait3A_58 = arith.constant 0 : i32
      %dma_wait3A_59 = tpu.memref_slice %arg7[%mul3A_2, %dma_wait3A_58] : memref<10240x16xf32, #tpu.memory_space<vmem_shared>> -> memref<640x16xf32, #tpu.memory_space<vmem_shared>>
      tpu.wait_dma2 semaphore(%run_scoped3A : memref<!tpu.dma_semaphore, #tpu.memory_space<semaphore_mem>>) src(%dma_wait3A_59 : memref<640x16xf32, #tpu.memory_space<vmem_shared>>) dst(%dma_wait3A_57 : memref<640x16xf32, #tpu.memory_space<hbm>>)
      tpu.yield
    }) : () -> ()
    return
  }
}

#map = affine_map<(d0, d1) -> (0, 0)>
#map1 = affine_map<(d0, d1) -> (0, 0, 0)>
module attributes {stable_mosaic.version = 14 : i64} {
  func.func @_sc_edge_body(%arg0: i32, %arg1: i32, %arg2: memref<10112x64xf32, #tpu.memory_space<hbm>>, %arg3: memref<32x80x128xi32, #tpu.memory_space<hbm>>, %arg4: memref<32x80x128xi32, #tpu.memory_space<hbm>>, %arg5: memref<2x10240x64xf32, #tpu.memory_space<hbm>>, %arg6: memref<80x128xi32, #tpu.memory_space<vmem>>, %arg7: memref<80x128xi32, #tpu.memory_space<vmem>>, %arg8: memref<128x64xf32, #tpu.memory_space<vmem>>, %arg9: memref<128x64xf32, #tpu.memory_space<vmem>>, %arg10: memref<64x64xf32, #tpu.memory_space<vmem>>, %arg11: memref<10112x64xf32, #tpu.memory_space<vmem_shared>>, %arg12: memref<10240x64xf32, #tpu.memory_space<vmem_shared>>, %arg13: memref<!tpu.dma_semaphore, #tpu.memory_space<semaphore_mem>>, %arg14: memref<!tpu.dma_semaphore, #tpu.memory_space<semaphore_mem>>, %arg15: memref<!tpu.dma_semaphore, #tpu.memory_space<semaphore_mem>>, %arg16: memref<!tpu.dma_semaphore, #tpu.memory_space<semaphore_mem>>) attributes {dimension_semantics = [#tpu.dimension_semantics<core_parallel>, #tpu.dimension_semantics<subcore_parallel>], iteration_bounds = array<i64: 2, 16>, scalar_prefetch = 0 : i64, scratch_operands = 11 : i64, tpu.core_type = #tpu.core_type<sc_vector_subcore>, window_params = [{transform_indices = #map}, {transform_indices = #map1}, {transform_indices = #map1}, {transform_indices = #map1}]} {
    %mul3A = arith.constant 2 : i32
    %mul3A_0 = arith.muli %arg1, %mul3A : i32
    %add3A = arith.addi %mul3A_0, %arg0 : i32
    %mul3A_1 = arith.constant 640 : i32
    %mul3A_2 = arith.muli %arg1, %mul3A_1 : i32
    %broadcast_in_dim3A = arith.constant 0.000000e+00 : f32
    %broadcast_in_dim3A_3 = vector.broadcast %broadcast_in_dim3A : f32 to vector<16xf32>
    %scan3A = arith.constant 0 : i32
    %scan3A_4 = arith.constant 0 : i32
    %scan3A_5 = arith.constant 64 : i32
    %scan3A_6 = arith.addi %scan3A_4, %scan3A_5 : i32
    %scan3A_7 = arith.constant 1 : i32
    scf.for %scan3A_80 = %scan3A_4 to %scan3A_6 step %scan3A_7  : i32 {
      %swap3A = arith.index_cast %scan3A_80 : i32 to index
      %swap3A_81 = arith.constant 0 : index
      %swap3A_82 = tpu.vector_load %arg10[%swap3A, %swap3A_81] {strides = array<i32>} : memref<64x64xf32, #tpu.memory_space<vmem>>, vector<1x16xf32>,
      %swap3A_83 = vector.shape_cast %swap3A_82 : vector<1x16xf32> to vector<16xf32>
      %swap3A_84 = vector.shape_cast %broadcast_in_dim3A_3 : vector<16xf32> to vector<1x16xf32>
      tpu.vector_store %arg10[%swap3A, %swap3A_81], %swap3A_84 {strides = array<i32>} : memref<64x64xf32, #tpu.memory_space<vmem>>, vector<1x16xf32>,
      %swap3A_85 = arith.index_cast %scan3A_80 : i32 to index
      %swap3A_86 = arith.constant 16 : index
      %swap3A_87 = tpu.vector_load %arg10[%swap3A_85, %swap3A_86] {strides = array<i32>} : memref<64x64xf32, #tpu.memory_space<vmem>>, vector<1x16xf32>,
      %swap3A_88 = vector.shape_cast %swap3A_87 : vector<1x16xf32> to vector<16xf32>
      %swap3A_89 = vector.shape_cast %broadcast_in_dim3A_3 : vector<16xf32> to vector<1x16xf32>
      tpu.vector_store %arg10[%swap3A_85, %swap3A_86], %swap3A_89 {strides = array<i32>} : memref<64x64xf32, #tpu.memory_space<vmem>>, vector<1x16xf32>,
      %swap3A_90 = arith.index_cast %scan3A_80 : i32 to index
      %swap3A_91 = arith.constant 32 : index
      %swap3A_92 = tpu.vector_load %arg10[%swap3A_90, %swap3A_91] {strides = array<i32>} : memref<64x64xf32, #tpu.memory_space<vmem>>, vector<1x16xf32>,
      %swap3A_93 = vector.shape_cast %swap3A_92 : vector<1x16xf32> to vector<16xf32>
      %swap3A_94 = vector.shape_cast %broadcast_in_dim3A_3 : vector<16xf32> to vector<1x16xf32>
      tpu.vector_store %arg10[%swap3A_90, %swap3A_91], %swap3A_94 {strides = array<i32>} : memref<64x64xf32, #tpu.memory_space<vmem>>, vector<1x16xf32>,
      %swap3A_95 = arith.index_cast %scan3A_80 : i32 to index
      %swap3A_96 = arith.constant 48 : index
      %swap3A_97 = tpu.vector_load %arg10[%swap3A_95, %swap3A_96] {strides = array<i32>} : memref<64x64xf32, #tpu.memory_space<vmem>>, vector<1x16xf32>,
      %swap3A_98 = vector.shape_cast %swap3A_97 : vector<1x16xf32> to vector<16xf32>
      %swap3A_99 = vector.shape_cast %broadcast_in_dim3A_3 : vector<16xf32> to vector<1x16xf32>
      tpu.vector_store %arg10[%swap3A_95, %swap3A_96], %swap3A_99 {strides = array<i32>} : memref<64x64xf32, #tpu.memory_space<vmem>>, vector<1x16xf32>,
    }
    %scan3A_8 = arith.constant 64 : i32
    %scan3A_9 = arith.constant 0 : i32
    %scan3A_10 = arith.constant 0 : i32
    %scan3A_11 = arith.constant 10 : i32
    %scan3A_12 = arith.addi %scan3A_10, %scan3A_11 : i32
    %scan3A_13 = arith.constant 1 : i32
    scf.for %scan3A_80 = %scan3A_10 to %scan3A_12 step %scan3A_13  : i32 {
      %mul3A_81 = arith.constant 64 : i32
      %mul3A_82 = arith.muli %scan3A_80, %mul3A_81 : i32
      %add3A_83 = arith.addi %mul3A_2, %mul3A_82 : i32
      "tpu.region"() ({
        %run_scoped3A = tpu.sem_alloc : memref<!tpu.dma_semaphore, #tpu.memory_space<semaphore_mem>>
        %dma_start3A_84 = arith.constant 0 : i32
        %dma_start3A_85 = tpu.memref_slice %arg12[%add3A_83, %dma_start3A_84] : memref<10240x64xf32, #tpu.memory_space<vmem_shared>> -> memref<64x64xf32, #tpu.memory_space<vmem_shared>>
        %dma_start3A_86 = arith.constant 0 : i32
        %dma_start3A_87 = tpu.memref_slice %arg12[%add3A_83, %dma_start3A_86] : memref<10240x64xf32, #tpu.memory_space<vmem_shared>> -> memref<64x64xf32, #tpu.memory_space<vmem_shared>>
        tpu.enqueue_dma source(%arg10 : memref<64x64xf32, #tpu.memory_space<vmem>>) target(%dma_start3A_87 : memref<64x64xf32, #tpu.memory_space<vmem_shared>>) target_semaphore(%run_scoped3A : memref<!tpu.dma_semaphore, #tpu.memory_space<semaphore_mem>>)
        %dma_wait3A_88 = arith.constant 0 : i32
        %dma_wait3A_89 = tpu.memref_slice %arg12[%add3A_83, %dma_wait3A_88] : memref<10240x64xf32, #tpu.memory_space<vmem_shared>> -> memref<64x64xf32, #tpu.memory_space<vmem_shared>>
        %dma_wait3A_90 = arith.constant 0 : i32
        %dma_wait3A_91 = tpu.memref_slice %arg12[%add3A_83, %dma_wait3A_90] : memref<10240x64xf32, #tpu.memory_space<vmem_shared>> -> memref<64x64xf32, #tpu.memory_space<vmem_shared>>
        tpu.wait_dma2 semaphore(%run_scoped3A : memref<!tpu.dma_semaphore, #tpu.memory_space<semaphore_mem>>) src(%arg10 : memref<64x64xf32, #tpu.memory_space<vmem>>) dst(%dma_wait3A_91 : memref<64x64xf32, #tpu.memory_space<vmem_shared>>)
        tpu.yield
      }) : () -> ()
    }
    %scan3A_14 = arith.constant 10 : i32
    %mul3A_15 = arith.constant 632 : i32
    %mul3A_16 = arith.muli %arg1, %mul3A_15 : i32
    %mul3A_17 = arith.constant 632 : i32
    %mul3A_18 = arith.muli %arg1, %mul3A_17 : i32
    "tpu.region"() ({
      %run_scoped3A = tpu.sem_alloc : memref<!tpu.dma_semaphore, #tpu.memory_space<semaphore_mem>>
      %dma_start3A_80 = arith.constant 0 : i32
      %dma_start3A_81 = tpu.memref_slice %arg11[%mul3A_18, %dma_start3A_80] : memref<10112x64xf32, #tpu.memory_space<vmem_shared>> -> memref<632x64xf32, #tpu.memory_space<vmem_shared>>
      %dma_start3A_82 = arith.constant 0 : i32
      %dma_start3A_83 = tpu.memref_slice %arg2[%mul3A_16, %dma_start3A_82] : memref<10112x64xf32, #tpu.memory_space<hbm>> -> memref<632x64xf32, #tpu.memory_space<hbm>>
      tpu.enqueue_dma source(%dma_start3A_83 : memref<632x64xf32, #tpu.memory_space<hbm>>) target(%dma_start3A_81 : memref<632x64xf32, #tpu.memory_space<vmem_shared>>) target_semaphore(%run_scoped3A : memref<!tpu.dma_semaphore, #tpu.memory_space<semaphore_mem>>)
      %dma_wait3A_84 = arith.constant 0 : i32
      %dma_wait3A_85 = tpu.memref_slice %arg11[%mul3A_18, %dma_wait3A_84] : memref<10112x64xf32, #tpu.memory_space<vmem_shared>> -> memref<632x64xf32, #tpu.memory_space<vmem_shared>>
      %dma_wait3A_86 = arith.constant 0 : i32
      %dma_wait3A_87 = tpu.memref_slice %arg2[%mul3A_16, %dma_wait3A_86] : memref<10112x64xf32, #tpu.memory_space<hbm>> -> memref<632x64xf32, #tpu.memory_space<hbm>>
      tpu.wait_dma2 semaphore(%run_scoped3A : memref<!tpu.dma_semaphore, #tpu.memory_space<semaphore_mem>>) src(%dma_wait3A_87 : memref<632x64xf32, #tpu.memory_space<hbm>>) dst(%dma_wait3A_85 : memref<632x64xf32, #tpu.memory_space<vmem_shared>>)
      tpu.yield
    }) : () -> ()
    %barrier3A = arith.constant 0 : index
    tpu.barrier barrier_id(%barrier3A)
    "tpu.region"() ({
      %run_scoped3A = tpu.sem_alloc : memref<!tpu.dma_semaphore, #tpu.memory_space<semaphore_mem>>
      %dma_start3A_80 = arith.constant 0 : i32
      %dma_start3A_81 = arith.constant 0 : i32
      %dma_start3A_82 = tpu.memref_slice %arg3[%add3A, %dma_start3A_80, %dma_start3A_81] : memref<32x80x128xi32, #tpu.memory_space<hbm>> -> memref<1x80x128xi32, #tpu.memory_space<hbm>>
      %dma_start3A_83 = tpu.memref_squeeze %dma_start3A_82 : memref<1x80x128xi32, #tpu.memory_space<hbm>> -> memref<80x128xi32, #tpu.memory_space<hbm>>
      %dma_start3A_84 = arith.constant 0 : i32
      %dma_start3A_85 = arith.constant 0 : i32
      %dma_start3A_86 = tpu.memref_slice %arg3[%add3A, %dma_start3A_84, %dma_start3A_85] : memref<32x80x128xi32, #tpu.memory_space<hbm>> -> memref<1x80x128xi32, #tpu.memory_space<hbm>>
      %dma_start3A_87 = tpu.memref_squeeze %dma_start3A_86 : memref<1x80x128xi32, #tpu.memory_space<hbm>> -> memref<80x128xi32, #tpu.memory_space<hbm>>
      tpu.enqueue_dma source(%dma_start3A_87 : memref<80x128xi32, #tpu.memory_space<hbm>>) target(%arg6 : memref<80x128xi32, #tpu.memory_space<vmem>>) target_semaphore(%run_scoped3A : memref<!tpu.dma_semaphore, #tpu.memory_space<semaphore_mem>>)
      %dma_wait3A_88 = arith.constant 0 : i32
      %dma_wait3A_89 = arith.constant 0 : i32
      %dma_wait3A_90 = tpu.memref_slice %arg3[%add3A, %dma_wait3A_88, %dma_wait3A_89] : memref<32x80x128xi32, #tpu.memory_space<hbm>> -> memref<1x80x128xi32, #tpu.memory_space<hbm>>
      %dma_wait3A_91 = tpu.memref_squeeze %dma_wait3A_90 : memref<1x80x128xi32, #tpu.memory_space<hbm>> -> memref<80x128xi32, #tpu.memory_space<hbm>>
      %dma_wait3A_92 = arith.constant 0 : i32
      %dma_wait3A_93 = arith.constant 0 : i32
      %dma_wait3A_94 = tpu.memref_slice %arg3[%add3A, %dma_wait3A_92, %dma_wait3A_93] : memref<32x80x128xi32, #tpu.memory_space<hbm>> -> memref<1x80x128xi32, #tpu.memory_space<hbm>>
      %dma_wait3A_95 = tpu.memref_squeeze %dma_wait3A_94 : memref<1x80x128xi32, #tpu.memory_space<hbm>> -> memref<80x128xi32, #tpu.memory_space<hbm>>
      tpu.wait_dma2 semaphore(%run_scoped3A : memref<!tpu.dma_semaphore, #tpu.memory_space<semaphore_mem>>) src(%dma_wait3A_95 : memref<80x128xi32, #tpu.memory_space<hbm>>) dst(%arg6 : memref<80x128xi32, #tpu.memory_space<vmem>>)
      tpu.yield
    }) : () -> ()
    "tpu.region"() ({
      %run_scoped3A = tpu.sem_alloc : memref<!tpu.dma_semaphore, #tpu.memory_space<semaphore_mem>>
      %dma_start3A_80 = arith.constant 0 : i32
      %dma_start3A_81 = arith.constant 0 : i32
      %dma_start3A_82 = tpu.memref_slice %arg4[%add3A, %dma_start3A_80, %dma_start3A_81] : memref<32x80x128xi32, #tpu.memory_space<hbm>> -> memref<1x80x128xi32, #tpu.memory_space<hbm>>
      %dma_start3A_83 = tpu.memref_squeeze %dma_start3A_82 : memref<1x80x128xi32, #tpu.memory_space<hbm>> -> memref<80x128xi32, #tpu.memory_space<hbm>>
      %dma_start3A_84 = arith.constant 0 : i32
      %dma_start3A_85 = arith.constant 0 : i32
      %dma_start3A_86 = tpu.memref_slice %arg4[%add3A, %dma_start3A_84, %dma_start3A_85] : memref<32x80x128xi32, #tpu.memory_space<hbm>> -> memref<1x80x128xi32, #tpu.memory_space<hbm>>
      %dma_start3A_87 = tpu.memref_squeeze %dma_start3A_86 : memref<1x80x128xi32, #tpu.memory_space<hbm>> -> memref<80x128xi32, #tpu.memory_space<hbm>>
      tpu.enqueue_dma source(%dma_start3A_87 : memref<80x128xi32, #tpu.memory_space<hbm>>) target(%arg7 : memref<80x128xi32, #tpu.memory_space<vmem>>) target_semaphore(%run_scoped3A : memref<!tpu.dma_semaphore, #tpu.memory_space<semaphore_mem>>)
      %dma_wait3A_88 = arith.constant 0 : i32
      %dma_wait3A_89 = arith.constant 0 : i32
      %dma_wait3A_90 = tpu.memref_slice %arg4[%add3A, %dma_wait3A_88, %dma_wait3A_89] : memref<32x80x128xi32, #tpu.memory_space<hbm>> -> memref<1x80x128xi32, #tpu.memory_space<hbm>>
      %dma_wait3A_91 = tpu.memref_squeeze %dma_wait3A_90 : memref<1x80x128xi32, #tpu.memory_space<hbm>> -> memref<80x128xi32, #tpu.memory_space<hbm>>
      %dma_wait3A_92 = arith.constant 0 : i32
      %dma_wait3A_93 = arith.constant 0 : i32
      %dma_wait3A_94 = tpu.memref_slice %arg4[%add3A, %dma_wait3A_92, %dma_wait3A_93] : memref<32x80x128xi32, #tpu.memory_space<hbm>> -> memref<1x80x128xi32, #tpu.memory_space<hbm>>
      %dma_wait3A_95 = tpu.memref_squeeze %dma_wait3A_94 : memref<1x80x128xi32, #tpu.memory_space<hbm>> -> memref<80x128xi32, #tpu.memory_space<hbm>>
      tpu.wait_dma2 semaphore(%run_scoped3A : memref<!tpu.dma_semaphore, #tpu.memory_space<semaphore_mem>>) src(%dma_wait3A_95 : memref<80x128xi32, #tpu.memory_space<hbm>>) dst(%arg7 : memref<80x128xi32, #tpu.memory_space<vmem>>)
      tpu.yield
    }) : () -> ()
    %dma_start3A = arith.constant 0 : i32
    %dma_start3A_19 = arith.constant 0 : i32
    %dma_start3A_20 = tpu.memref_slice %arg6[%dma_start3A, %dma_start3A_19] : memref<80x128xi32, #tpu.memory_space<vmem>> -> memref<1x128xi32, #tpu.memory_space<vmem>>
    %dma_start3A_21 = tpu.memref_squeeze %dma_start3A_20 : memref<1x128xi32, #tpu.memory_space<vmem>> -> memref<128xi32, #tpu.memory_space<vmem>>
    %dma_start3A_22 = arith.constant 0 : i32
    %dma_start3A_23 = arith.constant 0 : i32
    %dma_start3A_24 = tpu.memref_slice %arg11[%dma_start3A_22, %dma_start3A_23] : memref<10112x64xf32, #tpu.memory_space<vmem_shared>> -> memref<10112x64xf32, #tpu.memory_space<vmem_shared>>
    tpu.enqueue_indirect_dma source(%dma_start3A_24 : memref<10112x64xf32, #tpu.memory_space<vmem_shared>>) target(%arg8 : memref<128x64xf32, #tpu.memory_space<vmem>>) offsets(%dma_start3A_21 : memref<128xi32, #tpu.memory_space<vmem>>) semaphore(%arg13 : memref<!tpu.dma_semaphore, #tpu.memory_space<semaphore_mem>>)
    %dma_start3A_25 = arith.constant 1 : i32
    %dma_start3A_26 = arith.constant 0 : i32
    %dma_start3A_27 = tpu.memref_slice %arg6[%dma_start3A_25, %dma_start3A_26] : memref<80x128xi32, #tpu.memory_space<vmem>> -> memref<1x128xi32, #tpu.memory_space<vmem>>
    %dma_start3A_28 = tpu.memref_squeeze %dma_start3A_27 : memref<1x128xi32, #tpu.memory_space<vmem>> -> memref<128xi32, #tpu.memory_space<vmem>>
    %dma_start3A_29 = arith.constant 0 : i32
    %dma_start3A_30 = arith.constant 0 : i32
    %dma_start3A_31 = tpu.memref_slice %arg11[%dma_start3A_29, %dma_start3A_30] : memref<10112x64xf32, #tpu.memory_space<vmem_shared>> -> memref<10112x64xf32, #tpu.memory_space<vmem_shared>>
    tpu.enqueue_indirect_dma source(%dma_start3A_31 : memref<10112x64xf32, #tpu.memory_space<vmem_shared>>) target(%arg9 : memref<128x64xf32, #tpu.memory_space<vmem>>) offsets(%dma_start3A_28 : memref<128xi32, #tpu.memory_space<vmem>>) semaphore(%arg14 : memref<!tpu.dma_semaphore, #tpu.memory_space<semaphore_mem>>)
    %scan3A_32 = arith.constant 0 : i32
    %scan3A_33 = arith.constant 0 : i32
    %scan3A_34 = arith.constant 39 : i32
    %scan3A_35 = arith.addi %scan3A_33, %scan3A_34 : i32
    %scan3A_36 = arith.constant 1 : i32
    scf.for %scan3A_80 = %scan3A_33 to %scan3A_35 step %scan3A_36  : i32 {
      %mul3A_81 = arith.constant 2 : i32
      %mul3A_82 = arith.muli %mul3A_81, %scan3A_80 : i32
      %dma_wait3A_83 = arith.constant 0 : i32
      %dma_wait3A_84 = tpu.memref_slice %arg6[%mul3A_82, %dma_wait3A_83] : memref<80x128xi32, #tpu.memory_space<vmem>> -> memref<1x128xi32, #tpu.memory_space<vmem>>
      %dma_wait3A_85 = tpu.memref_squeeze %dma_wait3A_84 : memref<1x128xi32, #tpu.memory_space<vmem>> -> memref<128xi32, #tpu.memory_space<vmem>>
      %dma_wait3A_86 = arith.constant 0 : i32
      %dma_wait3A_87 = arith.constant 0 : i32
      %dma_wait3A_88 = tpu.memref_slice %arg11[%dma_wait3A_86, %dma_wait3A_87] : memref<10112x64xf32, #tpu.memory_space<vmem_shared>> -> memref<10112x64xf32, #tpu.memory_space<vmem_shared>>
      tpu.wait_indirect_dma semaphore(%arg13 : memref<!tpu.dma_semaphore, #tpu.memory_space<semaphore_mem>>) src(%dma_wait3A_88 : memref<10112x64xf32, #tpu.memory_space<vmem_shared>>) dst(%arg8 : memref<128x64xf32, #tpu.memory_space<vmem>>)
      %dma_start3A_89 = arith.constant 0 : i32
      %dma_start3A_90 = tpu.memref_slice %arg7[%mul3A_82, %dma_start3A_89] : memref<80x128xi32, #tpu.memory_space<vmem>> -> memref<1x128xi32, #tpu.memory_space<vmem>>
      %dma_start3A_91 = tpu.memref_squeeze %dma_start3A_90 : memref<1x128xi32, #tpu.memory_space<vmem>> -> memref<128xi32, #tpu.memory_space<vmem>>
      %dma_start3A_92 = arith.constant 0 : i32
      %dma_start3A_93 = arith.constant 0 : i32
      %dma_start3A_94 = tpu.memref_slice %arg12[%dma_start3A_92, %dma_start3A_93] : memref<10240x64xf32, #tpu.memory_space<vmem_shared>> -> memref<10240x64xf32, #tpu.memory_space<vmem_shared>>
      tpu.enqueue_indirect_dma source(%arg8 : memref<128x64xf32, #tpu.memory_space<vmem>>) target(%dma_start3A_94 : memref<10240x64xf32, #tpu.memory_space<vmem_shared>>) offsets(%dma_start3A_91 : memref<128xi32, #tpu.memory_space<vmem>>) semaphore(%arg15 : memref<!tpu.dma_semaphore, #tpu.memory_space<semaphore_mem>>) {add = true}
      %add3A_95 = arith.constant 1 : i32
      %add3A_96 = arith.addi %mul3A_82, %add3A_95 : i32
      %dma_wait3A_97 = arith.constant 0 : i32
      %dma_wait3A_98 = tpu.memref_slice %arg6[%add3A_96, %dma_wait3A_97] : memref<80x128xi32, #tpu.memory_space<vmem>> -> memref<1x128xi32, #tpu.memory_space<vmem>>
      %dma_wait3A_99 = tpu.memref_squeeze %dma_wait3A_98 : memref<1x128xi32, #tpu.memory_space<vmem>> -> memref<128xi32, #tpu.memory_space<vmem>>
      %dma_wait3A_100 = arith.constant 0 : i32
      %dma_wait3A_101 = arith.constant 0 : i32
      %dma_wait3A_102 = tpu.memref_slice %arg11[%dma_wait3A_100, %dma_wait3A_101] : memref<10112x64xf32, #tpu.memory_space<vmem_shared>> -> memref<10112x64xf32, #tpu.memory_space<vmem_shared>>
      tpu.wait_indirect_dma semaphore(%arg14 : memref<!tpu.dma_semaphore, #tpu.memory_space<semaphore_mem>>) src(%dma_wait3A_102 : memref<10112x64xf32, #tpu.memory_space<vmem_shared>>) dst(%arg9 : memref<128x64xf32, #tpu.memory_space<vmem>>)
      %add3A_103 = arith.constant 1 : i32
      %add3A_104 = arith.addi %mul3A_82, %add3A_103 : i32
      %dma_start3A_105 = arith.constant 0 : i32
      %dma_start3A_106 = tpu.memref_slice %arg7[%add3A_104, %dma_start3A_105] : memref<80x128xi32, #tpu.memory_space<vmem>> -> memref<1x128xi32, #tpu.memory_space<vmem>>
      %dma_start3A_107 = tpu.memref_squeeze %dma_start3A_106 : memref<1x128xi32, #tpu.memory_space<vmem>> -> memref<128xi32, #tpu.memory_space<vmem>>
      %dma_start3A_108 = arith.constant 0 : i32
      %dma_start3A_109 = arith.constant 0 : i32
      %dma_start3A_110 = tpu.memref_slice %arg12[%dma_start3A_108, %dma_start3A_109] : memref<10240x64xf32, #tpu.memory_space<vmem_shared>> -> memref<10240x64xf32, #tpu.memory_space<vmem_shared>>
      tpu.enqueue_indirect_dma source(%arg9 : memref<128x64xf32, #tpu.memory_space<vmem>>) target(%dma_start3A_110 : memref<10240x64xf32, #tpu.memory_space<vmem_shared>>) offsets(%dma_start3A_107 : memref<128xi32, #tpu.memory_space<vmem>>) semaphore(%arg16 : memref<!tpu.dma_semaphore, #tpu.memory_space<semaphore_mem>>) {add = true}
      %dma_wait3A_111 = arith.constant 0 : i32
      %dma_wait3A_112 = tpu.memref_slice %arg7[%mul3A_82, %dma_wait3A_111] : memref<80x128xi32, #tpu.memory_space<vmem>> -> memref<1x128xi32, #tpu.memory_space<vmem>>
      %dma_wait3A_113 = tpu.memref_squeeze %dma_wait3A_112 : memref<1x128xi32, #tpu.memory_space<vmem>> -> memref<128xi32, #tpu.memory_space<vmem>>
      %dma_wait3A_114 = arith.constant 0 : i32
      %dma_wait3A_115 = arith.constant 0 : i32
      %dma_wait3A_116 = tpu.memref_slice %arg12[%dma_wait3A_114, %dma_wait3A_115] : memref<10240x64xf32, #tpu.memory_space<vmem_shared>> -> memref<10240x64xf32, #tpu.memory_space<vmem_shared>>
      tpu.wait_indirect_dma semaphore(%arg15 : memref<!tpu.dma_semaphore, #tpu.memory_space<semaphore_mem>>) src(%arg8 : memref<128x64xf32, #tpu.memory_space<vmem>>) dst(%dma_wait3A_116 : memref<10240x64xf32, #tpu.memory_space<vmem_shared>>)
      %add3A_117 = arith.constant 2 : i32
      %add3A_118 = arith.addi %mul3A_82, %add3A_117 : i32
      %dma_start3A_119 = arith.constant 0 : i32
      %dma_start3A_120 = tpu.memref_slice %arg6[%add3A_118, %dma_start3A_119] : memref<80x128xi32, #tpu.memory_space<vmem>> -> memref<1x128xi32, #tpu.memory_space<vmem>>
      %dma_start3A_121 = tpu.memref_squeeze %dma_start3A_120 : memref<1x128xi32, #tpu.memory_space<vmem>> -> memref<128xi32, #tpu.memory_space<vmem>>
      %dma_start3A_122 = arith.constant 0 : i32
      %dma_start3A_123 = arith.constant 0 : i32
      %dma_start3A_124 = tpu.memref_slice %arg11[%dma_start3A_122, %dma_start3A_123] : memref<10112x64xf32, #tpu.memory_space<vmem_shared>> -> memref<10112x64xf32, #tpu.memory_space<vmem_shared>>
      tpu.enqueue_indirect_dma source(%dma_start3A_124 : memref<10112x64xf32, #tpu.memory_space<vmem_shared>>) target(%arg8 : memref<128x64xf32, #tpu.memory_space<vmem>>) offsets(%dma_start3A_121 : memref<128xi32, #tpu.memory_space<vmem>>) semaphore(%arg13 : memref<!tpu.dma_semaphore, #tpu.memory_space<semaphore_mem>>)
      %add3A_125 = arith.constant 1 : i32
      %add3A_126 = arith.addi %mul3A_82, %add3A_125 : i32
      %dma_wait3A_127 = arith.constant 0 : i32
      %dma_wait3A_128 = tpu.memref_slice %arg7[%add3A_126, %dma_wait3A_127] : memref<80x128xi32, #tpu.memory_space<vmem>> -> memref<1x128xi32, #tpu.memory_space<vmem>>
      %dma_wait3A_129 = tpu.memref_squeeze %dma_wait3A_128 : memref<1x128xi32, #tpu.memory_space<vmem>> -> memref<128xi32, #tpu.memory_space<vmem>>
      %dma_wait3A_130 = arith.constant 0 : i32
      %dma_wait3A_131 = arith.constant 0 : i32
      %dma_wait3A_132 = tpu.memref_slice %arg12[%dma_wait3A_130, %dma_wait3A_131] : memref<10240x64xf32, #tpu.memory_space<vmem_shared>> -> memref<10240x64xf32, #tpu.memory_space<vmem_shared>>
      tpu.wait_indirect_dma semaphore(%arg16 : memref<!tpu.dma_semaphore, #tpu.memory_space<semaphore_mem>>) src(%arg9 : memref<128x64xf32, #tpu.memory_space<vmem>>) dst(%dma_wait3A_132 : memref<10240x64xf32, #tpu.memory_space<vmem_shared>>)
      %add3A_133 = arith.constant 3 : i32
      %add3A_134 = arith.addi %mul3A_82, %add3A_133 : i32
      %dma_start3A_135 = arith.constant 0 : i32
      %dma_start3A_136 = tpu.memref_slice %arg6[%add3A_134, %dma_start3A_135] : memref<80x128xi32, #tpu.memory_space<vmem>> -> memref<1x128xi32, #tpu.memory_space<vmem>>
      %dma_start3A_137 = tpu.memref_squeeze %dma_start3A_136 : memref<1x128xi32, #tpu.memory_space<vmem>> -> memref<128xi32, #tpu.memory_space<vmem>>
      %dma_start3A_138 = arith.constant 0 : i32
      %dma_start3A_139 = arith.constant 0 : i32
      %dma_start3A_140 = tpu.memref_slice %arg11[%dma_start3A_138, %dma_start3A_139] : memref<10112x64xf32, #tpu.memory_space<vmem_shared>> -> memref<10112x64xf32, #tpu.memory_space<vmem_shared>>
      tpu.enqueue_indirect_dma source(%dma_start3A_140 : memref<10112x64xf32, #tpu.memory_space<vmem_shared>>) target(%arg9 : memref<128x64xf32, #tpu.memory_space<vmem>>) offsets(%dma_start3A_137 : memref<128xi32, #tpu.memory_space<vmem>>) semaphore(%arg14 : memref<!tpu.dma_semaphore, #tpu.memory_space<semaphore_mem>>)
    }
    %scan3A_37 = arith.constant 39 : i32
    %dma_wait3A = arith.constant 78 : i32
    %dma_wait3A_38 = arith.constant 0 : i32
    %dma_wait3A_39 = tpu.memref_slice %arg6[%dma_wait3A, %dma_wait3A_38] : memref<80x128xi32, #tpu.memory_space<vmem>> -> memref<1x128xi32, #tpu.memory_space<vmem>>
    %dma_wait3A_40 = tpu.memref_squeeze %dma_wait3A_39 : memref<1x128xi32, #tpu.memory_space<vmem>> -> memref<128xi32, #tpu.memory_space<vmem>>
    %dma_wait3A_41 = arith.constant 0 : i32
    %dma_wait3A_42 = arith.constant 0 : i32
    %dma_wait3A_43 = tpu.memref_slice %arg11[%dma_wait3A_41, %dma_wait3A_42] : memref<10112x64xf32, #tpu.memory_space<vmem_shared>> -> memref<10112x64xf32, #tpu.memory_space<vmem_shared>>
    tpu.wait_indirect_dma semaphore(%arg13 : memref<!tpu.dma_semaphore, #tpu.memory_space<semaphore_mem>>) src(%dma_wait3A_43 : memref<10112x64xf32, #tpu.memory_space<vmem_shared>>) dst(%arg8 : memref<128x64xf32, #tpu.memory_space<vmem>>)
    %dma_start3A_44 = arith.constant 78 : i32
    %dma_start3A_45 = arith.constant 0 : i32
    %dma_start3A_46 = tpu.memref_slice %arg7[%dma_start3A_44, %dma_start3A_45] : memref<80x128xi32, #tpu.memory_space<vmem>> -> memref<1x128xi32, #tpu.memory_space<vmem>>
    %dma_start3A_47 = tpu.memref_squeeze %dma_start3A_46 : memref<1x128xi32, #tpu.memory_space<vmem>> -> memref<128xi32, #tpu.memory_space<vmem>>
    %dma_start3A_48 = arith.constant 0 : i32
    %dma_start3A_49 = arith.constant 0 : i32
    %dma_start3A_50 = tpu.memref_slice %arg12[%dma_start3A_48, %dma_start3A_49] : memref<10240x64xf32, #tpu.memory_space<vmem_shared>> -> memref<10240x64xf32, #tpu.memory_space<vmem_shared>>
    tpu.enqueue_indirect_dma source(%arg8 : memref<128x64xf32, #tpu.memory_space<vmem>>) target(%dma_start3A_50 : memref<10240x64xf32, #tpu.memory_space<vmem_shared>>) offsets(%dma_start3A_47 : memref<128xi32, #tpu.memory_space<vmem>>) semaphore(%arg15 : memref<!tpu.dma_semaphore, #tpu.memory_space<semaphore_mem>>) {add = true}
    %dma_wait3A_51 = arith.constant 79 : i32
    %dma_wait3A_52 = arith.constant 0 : i32
    %dma_wait3A_53 = tpu.memref_slice %arg6[%dma_wait3A_51, %dma_wait3A_52] : memref<80x128xi32, #tpu.memory_space<vmem>> -> memref<1x128xi32, #tpu.memory_space<vmem>>
    %dma_wait3A_54 = tpu.memref_squeeze %dma_wait3A_53 : memref<1x128xi32, #tpu.memory_space<vmem>> -> memref<128xi32, #tpu.memory_space<vmem>>
    %dma_wait3A_55 = arith.constant 0 : i32
    %dma_wait3A_56 = arith.constant 0 : i32
    %dma_wait3A_57 = tpu.memref_slice %arg11[%dma_wait3A_55, %dma_wait3A_56] : memref<10112x64xf32, #tpu.memory_space<vmem_shared>> -> memref<10112x64xf32, #tpu.memory_space<vmem_shared>>
    tpu.wait_indirect_dma semaphore(%arg14 : memref<!tpu.dma_semaphore, #tpu.memory_space<semaphore_mem>>) src(%dma_wait3A_57 : memref<10112x64xf32, #tpu.memory_space<vmem_shared>>) dst(%arg9 : memref<128x64xf32, #tpu.memory_space<vmem>>)
    %dma_start3A_58 = arith.constant 79 : i32
    %dma_start3A_59 = arith.constant 0 : i32
    %dma_start3A_60 = tpu.memref_slice %arg7[%dma_start3A_58, %dma_start3A_59] : memref<80x128xi32, #tpu.memory_space<vmem>> -> memref<1x128xi32, #tpu.memory_space<vmem>>
    %dma_start3A_61 = tpu.memref_squeeze %dma_start3A_60 : memref<1x128xi32, #tpu.memory_space<vmem>> -> memref<128xi32, #tpu.memory_space<vmem>>
    %dma_start3A_62 = arith.constant 0 : i32
    %dma_start3A_63 = arith.constant 0 : i32
    %dma_start3A_64 = tpu.memref_slice %arg12[%dma_start3A_62, %dma_start3A_63] : memref<10240x64xf32, #tpu.memory_space<vmem_shared>> -> memref<10240x64xf32, #tpu.memory_space<vmem_shared>>
    tpu.enqueue_indirect_dma source(%arg9 : memref<128x64xf32, #tpu.memory_space<vmem>>) target(%dma_start3A_64 : memref<10240x64xf32, #tpu.memory_space<vmem_shared>>) offsets(%dma_start3A_61 : memref<128xi32, #tpu.memory_space<vmem>>) semaphore(%arg16 : memref<!tpu.dma_semaphore, #tpu.memory_space<semaphore_mem>>) {add = true}
    %dma_wait3A_65 = arith.constant 78 : i32
    %dma_wait3A_66 = arith.constant 0 : i32
    %dma_wait3A_67 = tpu.memref_slice %arg7[%dma_wait3A_65, %dma_wait3A_66] : memref<80x128xi32, #tpu.memory_space<vmem>> -> memref<1x128xi32, #tpu.memory_space<vmem>>
    %dma_wait3A_68 = tpu.memref_squeeze %dma_wait3A_67 : memref<1x128xi32, #tpu.memory_space<vmem>> -> memref<128xi32, #tpu.memory_space<vmem>>
    %dma_wait3A_69 = arith.constant 0 : i32
    %dma_wait3A_70 = arith.constant 0 : i32
    %dma_wait3A_71 = tpu.memref_slice %arg12[%dma_wait3A_69, %dma_wait3A_70] : memref<10240x64xf32, #tpu.memory_space<vmem_shared>> -> memref<10240x64xf32, #tpu.memory_space<vmem_shared>>
    tpu.wait_indirect_dma semaphore(%arg15 : memref<!tpu.dma_semaphore, #tpu.memory_space<semaphore_mem>>) src(%arg8 : memref<128x64xf32, #tpu.memory_space<vmem>>) dst(%dma_wait3A_71 : memref<10240x64xf32, #tpu.memory_space<vmem_shared>>)
    %dma_wait3A_72 = arith.constant 79 : i32
    %dma_wait3A_73 = arith.constant 0 : i32
    %dma_wait3A_74 = tpu.memref_slice %arg7[%dma_wait3A_72, %dma_wait3A_73] : memref<80x128xi32, #tpu.memory_space<vmem>> -> memref<1x128xi32, #tpu.memory_space<vmem>>
    %dma_wait3A_75 = tpu.memref_squeeze %dma_wait3A_74 : memref<1x128xi32, #tpu.memory_space<vmem>> -> memref<128xi32, #tpu.memory_space<vmem>>
    %dma_wait3A_76 = arith.constant 0 : i32
    %dma_wait3A_77 = arith.constant 0 : i32
    %dma_wait3A_78 = tpu.memref_slice %arg12[%dma_wait3A_76, %dma_wait3A_77] : memref<10240x64xf32, #tpu.memory_space<vmem_shared>> -> memref<10240x64xf32, #tpu.memory_space<vmem_shared>>
    tpu.wait_indirect_dma semaphore(%arg16 : memref<!tpu.dma_semaphore, #tpu.memory_space<semaphore_mem>>) src(%arg9 : memref<128x64xf32, #tpu.memory_space<vmem>>) dst(%dma_wait3A_78 : memref<10240x64xf32, #tpu.memory_space<vmem_shared>>)
    %barrier3A_79 = arith.constant 0 : index
    tpu.barrier barrier_id(%barrier3A_79)
    "tpu.region"() ({
      %run_scoped3A = tpu.sem_alloc : memref<!tpu.dma_semaphore, #tpu.memory_space<semaphore_mem>>
      %dma_start3A_80 = arith.constant 0 : i32
      %dma_start3A_81 = tpu.memref_slice %arg5[%arg0, %mul3A_2, %dma_start3A_80] : memref<2x10240x64xf32, #tpu.memory_space<hbm>> -> memref<1x640x64xf32, #tpu.memory_space<hbm>>
      %dma_start3A_82 = tpu.memref_squeeze %dma_start3A_81 : memref<1x640x64xf32, #tpu.memory_space<hbm>> -> memref<640x64xf32, #tpu.memory_space<hbm>>
      %dma_start3A_83 = arith.constant 0 : i32
      %dma_start3A_84 = tpu.memref_slice %arg12[%mul3A_2, %dma_start3A_83] : memref<10240x64xf32, #tpu.memory_space<vmem_shared>> -> memref<640x64xf32, #tpu.memory_space<vmem_shared>>
      tpu.enqueue_dma source(%dma_start3A_84 : memref<640x64xf32, #tpu.memory_space<vmem_shared>>) target(%dma_start3A_82 : memref<640x64xf32, #tpu.memory_space<hbm>>) target_semaphore(%run_scoped3A : memref<!tpu.dma_semaphore, #tpu.memory_space<semaphore_mem>>)
      %dma_wait3A_85 = arith.constant 0 : i32
      %dma_wait3A_86 = tpu.memref_slice %arg5[%arg0, %mul3A_2, %dma_wait3A_85] : memref<2x10240x64xf32, #tpu.memory_space<hbm>> -> memref<1x640x64xf32, #tpu.memory_space<hbm>>
      %dma_wait3A_87 = tpu.memref_squeeze %dma_wait3A_86 : memref<1x640x64xf32, #tpu.memory_space<hbm>> -> memref<640x64xf32, #tpu.memory_space<hbm>>
      %dma_wait3A_88 = arith.constant 0 : i32
      %dma_wait3A_89 = tpu.memref_slice %arg12[%mul3A_2, %dma_wait3A_88] : memref<10240x64xf32, #tpu.memory_space<vmem_shared>> -> memref<640x64xf32, #tpu.memory_space<vmem_shared>>
      tpu.wait_dma2 semaphore(%run_scoped3A : memref<!tpu.dma_semaphore, #tpu.memory_space<semaphore_mem>>) src(%dma_wait3A_89 : memref<640x64xf32, #tpu.memory_space<vmem_shared>>) dst(%dma_wait3A_87 : memref<640x64xf32, #tpu.memory_space<hbm>>)
      tpu.yield
    }) : () -> ()
    return
  }
}

#map = affine_map<(d0, d1) -> (0, 0)>
#map1 = affine_map<(d0, d1) -> (0, 0, 0)>
module attributes {stable_mosaic.version = 14 : i64} {
  func.func @_sc_edge_body(%arg0: i32, %arg1: i32, %arg2: memref<10112x64xf32, #tpu.memory_space<hbm>>, %arg3: memref<32x80x128xi32, #tpu.memory_space<hbm>>, %arg4: memref<32x80x128xi32, #tpu.memory_space<hbm>>, %arg5: memref<2x10240x64xf32, #tpu.memory_space<hbm>>, %arg6: memref<80x128xi32, #tpu.memory_space<vmem>>, %arg7: memref<80x128xi32, #tpu.memory_space<vmem>>, %arg8: memref<128x64xf32, #tpu.memory_space<vmem>>, %arg9: memref<128x64xf32, #tpu.memory_space<vmem>>, %arg10: memref<64x64xf32, #tpu.memory_space<vmem>>, %arg11: memref<10112x64xf32, #tpu.memory_space<vmem_shared>>, %arg12: memref<10240x64xf32, #tpu.memory_space<vmem_shared>>, %arg13: memref<!tpu.dma_semaphore, #tpu.memory_space<semaphore_mem>>, %arg14: memref<!tpu.dma_semaphore, #tpu.memory_space<semaphore_mem>>, %arg15: memref<!tpu.dma_semaphore, #tpu.memory_space<semaphore_mem>>, %arg16: memref<!tpu.dma_semaphore, #tpu.memory_space<semaphore_mem>>) attributes {dimension_semantics = [#tpu.dimension_semantics<core_parallel>, #tpu.dimension_semantics<subcore_parallel>], iteration_bounds = array<i64: 2, 16>, scalar_prefetch = 0 : i64, scratch_operands = 11 : i64, tpu.core_type = #tpu.core_type<sc_vector_subcore>, window_params = [{transform_indices = #map}, {transform_indices = #map1}, {transform_indices = #map1}, {transform_indices = #map1}]} {
    %mul3A = arith.constant 2 : i32
    %mul3A_0 = arith.muli %arg1, %mul3A : i32
    %add3A = arith.addi %mul3A_0, %arg0 : i32
    %mul3A_1 = arith.constant 640 : i32
    %mul3A_2 = arith.muli %arg1, %mul3A_1 : i32
    %broadcast_in_dim3A = arith.constant 0.000000e+00 : f32
    %broadcast_in_dim3A_3 = vector.broadcast %broadcast_in_dim3A : f32 to vector<16xf32>
    %scan3A = arith.constant 0 : i32
    %scan3A_4 = arith.constant 0 : i32
    %scan3A_5 = arith.constant 64 : i32
    %scan3A_6 = arith.addi %scan3A_4, %scan3A_5 : i32
    %scan3A_7 = arith.constant 1 : i32
    scf.for %scan3A_80 = %scan3A_4 to %scan3A_6 step %scan3A_7  : i32 {
      %swap3A = arith.index_cast %scan3A_80 : i32 to index
      %swap3A_81 = arith.constant 0 : index
      %swap3A_82 = tpu.vector_load %arg10[%swap3A, %swap3A_81] {strides = array<i32>} : memref<64x64xf32, #tpu.memory_space<vmem>>, vector<1x16xf32>,
      %swap3A_83 = vector.shape_cast %swap3A_82 : vector<1x16xf32> to vector<16xf32>
      %swap3A_84 = vector.shape_cast %broadcast_in_dim3A_3 : vector<16xf32> to vector<1x16xf32>
      tpu.vector_store %arg10[%swap3A, %swap3A_81], %swap3A_84 {strides = array<i32>} : memref<64x64xf32, #tpu.memory_space<vmem>>, vector<1x16xf32>,
      %swap3A_85 = arith.index_cast %scan3A_80 : i32 to index
      %swap3A_86 = arith.constant 16 : index
      %swap3A_87 = tpu.vector_load %arg10[%swap3A_85, %swap3A_86] {strides = array<i32>} : memref<64x64xf32, #tpu.memory_space<vmem>>, vector<1x16xf32>,
      %swap3A_88 = vector.shape_cast %swap3A_87 : vector<1x16xf32> to vector<16xf32>
      %swap3A_89 = vector.shape_cast %broadcast_in_dim3A_3 : vector<16xf32> to vector<1x16xf32>
      tpu.vector_store %arg10[%swap3A_85, %swap3A_86], %swap3A_89 {strides = array<i32>} : memref<64x64xf32, #tpu.memory_space<vmem>>, vector<1x16xf32>,
      %swap3A_90 = arith.index_cast %scan3A_80 : i32 to index
      %swap3A_91 = arith.constant 32 : index
      %swap3A_92 = tpu.vector_load %arg10[%swap3A_90, %swap3A_91] {strides = array<i32>} : memref<64x64xf32, #tpu.memory_space<vmem>>, vector<1x16xf32>,
      %swap3A_93 = vector.shape_cast %swap3A_92 : vector<1x16xf32> to vector<16xf32>
      %swap3A_94 = vector.shape_cast %broadcast_in_dim3A_3 : vector<16xf32> to vector<1x16xf32>
      tpu.vector_store %arg10[%swap3A_90, %swap3A_91], %swap3A_94 {strides = array<i32>} : memref<64x64xf32, #tpu.memory_space<vmem>>, vector<1x16xf32>,
      %swap3A_95 = arith.index_cast %scan3A_80 : i32 to index
      %swap3A_96 = arith.constant 48 : index
      %swap3A_97 = tpu.vector_load %arg10[%swap3A_95, %swap3A_96] {strides = array<i32>} : memref<64x64xf32, #tpu.memory_space<vmem>>, vector<1x16xf32>,
      %swap3A_98 = vector.shape_cast %swap3A_97 : vector<1x16xf32> to vector<16xf32>
      %swap3A_99 = vector.shape_cast %broadcast_in_dim3A_3 : vector<16xf32> to vector<1x16xf32>
      tpu.vector_store %arg10[%swap3A_95, %swap3A_96], %swap3A_99 {strides = array<i32>} : memref<64x64xf32, #tpu.memory_space<vmem>>, vector<1x16xf32>,
    }
    %scan3A_8 = arith.constant 64 : i32
    %scan3A_9 = arith.constant 0 : i32
    %scan3A_10 = arith.constant 0 : i32
    %scan3A_11 = arith.constant 10 : i32
    %scan3A_12 = arith.addi %scan3A_10, %scan3A_11 : i32
    %scan3A_13 = arith.constant 1 : i32
    scf.for %scan3A_80 = %scan3A_10 to %scan3A_12 step %scan3A_13  : i32 {
      %mul3A_81 = arith.constant 64 : i32
      %mul3A_82 = arith.muli %scan3A_80, %mul3A_81 : i32
      %add3A_83 = arith.addi %mul3A_2, %mul3A_82 : i32
      "tpu.region"() ({
        %run_scoped3A = tpu.sem_alloc : memref<!tpu.dma_semaphore, #tpu.memory_space<semaphore_mem>>
        %dma_start3A_84 = arith.constant 0 : i32
        %dma_start3A_85 = tpu.memref_slice %arg12[%add3A_83, %dma_start3A_84] : memref<10240x64xf32, #tpu.memory_space<vmem_shared>> -> memref<64x64xf32, #tpu.memory_space<vmem_shared>>
        %dma_start3A_86 = arith.constant 0 : i32
        %dma_start3A_87 = tpu.memref_slice %arg12[%add3A_83, %dma_start3A_86] : memref<10240x64xf32, #tpu.memory_space<vmem_shared>> -> memref<64x64xf32, #tpu.memory_space<vmem_shared>>
        tpu.enqueue_dma source(%arg10 : memref<64x64xf32, #tpu.memory_space<vmem>>) target(%dma_start3A_87 : memref<64x64xf32, #tpu.memory_space<vmem_shared>>) target_semaphore(%run_scoped3A : memref<!tpu.dma_semaphore, #tpu.memory_space<semaphore_mem>>)
        %dma_wait3A_88 = arith.constant 0 : i32
        %dma_wait3A_89 = tpu.memref_slice %arg12[%add3A_83, %dma_wait3A_88] : memref<10240x64xf32, #tpu.memory_space<vmem_shared>> -> memref<64x64xf32, #tpu.memory_space<vmem_shared>>
        %dma_wait3A_90 = arith.constant 0 : i32
        %dma_wait3A_91 = tpu.memref_slice %arg12[%add3A_83, %dma_wait3A_90] : memref<10240x64xf32, #tpu.memory_space<vmem_shared>> -> memref<64x64xf32, #tpu.memory_space<vmem_shared>>
        tpu.wait_dma2 semaphore(%run_scoped3A : memref<!tpu.dma_semaphore, #tpu.memory_space<semaphore_mem>>) src(%arg10 : memref<64x64xf32, #tpu.memory_space<vmem>>) dst(%dma_wait3A_91 : memref<64x64xf32, #tpu.memory_space<vmem_shared>>)
        tpu.yield
      }) : () -> ()
    }
    %scan3A_14 = arith.constant 10 : i32
    %mul3A_15 = arith.constant 632 : i32
    %mul3A_16 = arith.muli %arg1, %mul3A_15 : i32
    %mul3A_17 = arith.constant 632 : i32
    %mul3A_18 = arith.muli %arg1, %mul3A_17 : i32
    "tpu.region"() ({
      %run_scoped3A = tpu.sem_alloc : memref<!tpu.dma_semaphore, #tpu.memory_space<semaphore_mem>>
      %dma_start3A_80 = arith.constant 0 : i32
      %dma_start3A_81 = tpu.memref_slice %arg11[%mul3A_18, %dma_start3A_80] : memref<10112x64xf32, #tpu.memory_space<vmem_shared>> -> memref<632x64xf32, #tpu.memory_space<vmem_shared>>
      %dma_start3A_82 = arith.constant 0 : i32
      %dma_start3A_83 = tpu.memref_slice %arg2[%mul3A_16, %dma_start3A_82] : memref<10112x64xf32, #tpu.memory_space<hbm>> -> memref<632x64xf32, #tpu.memory_space<hbm>>
      tpu.enqueue_dma source(%dma_start3A_83 : memref<632x64xf32, #tpu.memory_space<hbm>>) target(%dma_start3A_81 : memref<632x64xf32, #tpu.memory_space<vmem_shared>>) target_semaphore(%run_scoped3A : memref<!tpu.dma_semaphore, #tpu.memory_space<semaphore_mem>>)
      %dma_wait3A_84 = arith.constant 0 : i32
      %dma_wait3A_85 = tpu.memref_slice %arg11[%mul3A_18, %dma_wait3A_84] : memref<10112x64xf32, #tpu.memory_space<vmem_shared>> -> memref<632x64xf32, #tpu.memory_space<vmem_shared>>
      %dma_wait3A_86 = arith.constant 0 : i32
      %dma_wait3A_87 = tpu.memref_slice %arg2[%mul3A_16, %dma_wait3A_86] : memref<10112x64xf32, #tpu.memory_space<hbm>> -> memref<632x64xf32, #tpu.memory_space<hbm>>
      tpu.wait_dma2 semaphore(%run_scoped3A : memref<!tpu.dma_semaphore, #tpu.memory_space<semaphore_mem>>) src(%dma_wait3A_87 : memref<632x64xf32, #tpu.memory_space<hbm>>) dst(%dma_wait3A_85 : memref<632x64xf32, #tpu.memory_space<vmem_shared>>)
      tpu.yield
    }) : () -> ()
    %barrier3A = arith.constant 0 : index
    tpu.barrier barrier_id(%barrier3A)
    "tpu.region"() ({
      %run_scoped3A = tpu.sem_alloc : memref<!tpu.dma_semaphore, #tpu.memory_space<semaphore_mem>>
      %dma_start3A_80 = arith.constant 0 : i32
      %dma_start3A_81 = arith.constant 0 : i32
      %dma_start3A_82 = tpu.memref_slice %arg3[%add3A, %dma_start3A_80, %dma_start3A_81] : memref<32x80x128xi32, #tpu.memory_space<hbm>> -> memref<1x80x128xi32, #tpu.memory_space<hbm>>
      %dma_start3A_83 = tpu.memref_squeeze %dma_start3A_82 : memref<1x80x128xi32, #tpu.memory_space<hbm>> -> memref<80x128xi32, #tpu.memory_space<hbm>>
      %dma_start3A_84 = arith.constant 0 : i32
      %dma_start3A_85 = arith.constant 0 : i32
      %dma_start3A_86 = tpu.memref_slice %arg3[%add3A, %dma_start3A_84, %dma_start3A_85] : memref<32x80x128xi32, #tpu.memory_space<hbm>> -> memref<1x80x128xi32, #tpu.memory_space<hbm>>
      %dma_start3A_87 = tpu.memref_squeeze %dma_start3A_86 : memref<1x80x128xi32, #tpu.memory_space<hbm>> -> memref<80x128xi32, #tpu.memory_space<hbm>>
      tpu.enqueue_dma source(%dma_start3A_87 : memref<80x128xi32, #tpu.memory_space<hbm>>) target(%arg6 : memref<80x128xi32, #tpu.memory_space<vmem>>) target_semaphore(%run_scoped3A : memref<!tpu.dma_semaphore, #tpu.memory_space<semaphore_mem>>)
      %dma_wait3A_88 = arith.constant 0 : i32
      %dma_wait3A_89 = arith.constant 0 : i32
      %dma_wait3A_90 = tpu.memref_slice %arg3[%add3A, %dma_wait3A_88, %dma_wait3A_89] : memref<32x80x128xi32, #tpu.memory_space<hbm>> -> memref<1x80x128xi32, #tpu.memory_space<hbm>>
      %dma_wait3A_91 = tpu.memref_squeeze %dma_wait3A_90 : memref<1x80x128xi32, #tpu.memory_space<hbm>> -> memref<80x128xi32, #tpu.memory_space<hbm>>
      %dma_wait3A_92 = arith.constant 0 : i32
      %dma_wait3A_93 = arith.constant 0 : i32
      %dma_wait3A_94 = tpu.memref_slice %arg3[%add3A, %dma_wait3A_92, %dma_wait3A_93] : memref<32x80x128xi32, #tpu.memory_space<hbm>> -> memref<1x80x128xi32, #tpu.memory_space<hbm>>
      %dma_wait3A_95 = tpu.memref_squeeze %dma_wait3A_94 : memref<1x80x128xi32, #tpu.memory_space<hbm>> -> memref<80x128xi32, #tpu.memory_space<hbm>>
      tpu.wait_dma2 semaphore(%run_scoped3A : memref<!tpu.dma_semaphore, #tpu.memory_space<semaphore_mem>>) src(%dma_wait3A_95 : memref<80x128xi32, #tpu.memory_space<hbm>>) dst(%arg6 : memref<80x128xi32, #tpu.memory_space<vmem>>)
      tpu.yield
    }) : () -> ()
    "tpu.region"() ({
      %run_scoped3A = tpu.sem_alloc : memref<!tpu.dma_semaphore, #tpu.memory_space<semaphore_mem>>
      %dma_start3A_80 = arith.constant 0 : i32
      %dma_start3A_81 = arith.constant 0 : i32
      %dma_start3A_82 = tpu.memref_slice %arg4[%add3A, %dma_start3A_80, %dma_start3A_81] : memref<32x80x128xi32, #tpu.memory_space<hbm>> -> memref<1x80x128xi32, #tpu.memory_space<hbm>>
      %dma_start3A_83 = tpu.memref_squeeze %dma_start3A_82 : memref<1x80x128xi32, #tpu.memory_space<hbm>> -> memref<80x128xi32, #tpu.memory_space<hbm>>
      %dma_start3A_84 = arith.constant 0 : i32
      %dma_start3A_85 = arith.constant 0 : i32
      %dma_start3A_86 = tpu.memref_slice %arg4[%add3A, %dma_start3A_84, %dma_start3A_85] : memref<32x80x128xi32, #tpu.memory_space<hbm>> -> memref<1x80x128xi32, #tpu.memory_space<hbm>>
      %dma_start3A_87 = tpu.memref_squeeze %dma_start3A_86 : memref<1x80x128xi32, #tpu.memory_space<hbm>> -> memref<80x128xi32, #tpu.memory_space<hbm>>
      tpu.enqueue_dma source(%dma_start3A_87 : memref<80x128xi32, #tpu.memory_space<hbm>>) target(%arg7 : memref<80x128xi32, #tpu.memory_space<vmem>>) target_semaphore(%run_scoped3A : memref<!tpu.dma_semaphore, #tpu.memory_space<semaphore_mem>>)
      %dma_wait3A_88 = arith.constant 0 : i32
      %dma_wait3A_89 = arith.constant 0 : i32
      %dma_wait3A_90 = tpu.memref_slice %arg4[%add3A, %dma_wait3A_88, %dma_wait3A_89] : memref<32x80x128xi32, #tpu.memory_space<hbm>> -> memref<1x80x128xi32, #tpu.memory_space<hbm>>
      %dma_wait3A_91 = tpu.memref_squeeze %dma_wait3A_90 : memref<1x80x128xi32, #tpu.memory_space<hbm>> -> memref<80x128xi32, #tpu.memory_space<hbm>>
      %dma_wait3A_92 = arith.constant 0 : i32
      %dma_wait3A_93 = arith.constant 0 : i32
      %dma_wait3A_94 = tpu.memref_slice %arg4[%add3A, %dma_wait3A_92, %dma_wait3A_93] : memref<32x80x128xi32, #tpu.memory_space<hbm>> -> memref<1x80x128xi32, #tpu.memory_space<hbm>>
      %dma_wait3A_95 = tpu.memref_squeeze %dma_wait3A_94 : memref<1x80x128xi32, #tpu.memory_space<hbm>> -> memref<80x128xi32, #tpu.memory_space<hbm>>
      tpu.wait_dma2 semaphore(%run_scoped3A : memref<!tpu.dma_semaphore, #tpu.memory_space<semaphore_mem>>) src(%dma_wait3A_95 : memref<80x128xi32, #tpu.memory_space<hbm>>) dst(%arg7 : memref<80x128xi32, #tpu.memory_space<vmem>>)
      tpu.yield
    }) : () -> ()
    %dma_start3A = arith.constant 0 : i32
    %dma_start3A_19 = arith.constant 0 : i32
    %dma_start3A_20 = tpu.memref_slice %arg6[%dma_start3A, %dma_start3A_19] : memref<80x128xi32, #tpu.memory_space<vmem>> -> memref<1x128xi32, #tpu.memory_space<vmem>>
    %dma_start3A_21 = tpu.memref_squeeze %dma_start3A_20 : memref<1x128xi32, #tpu.memory_space<vmem>> -> memref<128xi32, #tpu.memory_space<vmem>>
    %dma_start3A_22 = arith.constant 0 : i32
    %dma_start3A_23 = arith.constant 0 : i32
    %dma_start3A_24 = tpu.memref_slice %arg11[%dma_start3A_22, %dma_start3A_23] : memref<10112x64xf32, #tpu.memory_space<vmem_shared>> -> memref<10112x64xf32, #tpu.memory_space<vmem_shared>>
    tpu.enqueue_indirect_dma source(%dma_start3A_24 : memref<10112x64xf32, #tpu.memory_space<vmem_shared>>) target(%arg8 : memref<128x64xf32, #tpu.memory_space<vmem>>) offsets(%dma_start3A_21 : memref<128xi32, #tpu.memory_space<vmem>>) semaphore(%arg13 : memref<!tpu.dma_semaphore, #tpu.memory_space<semaphore_mem>>)
    %dma_start3A_25 = arith.constant 1 : i32
    %dma_start3A_26 = arith.constant 0 : i32
    %dma_start3A_27 = tpu.memref_slice %arg6[%dma_start3A_25, %dma_start3A_26] : memref<80x128xi32, #tpu.memory_space<vmem>> -> memref<1x128xi32, #tpu.memory_space<vmem>>
    %dma_start3A_28 = tpu.memref_squeeze %dma_start3A_27 : memref<1x128xi32, #tpu.memory_space<vmem>> -> memref<128xi32, #tpu.memory_space<vmem>>
    %dma_start3A_29 = arith.constant 0 : i32
    %dma_start3A_30 = arith.constant 0 : i32
    %dma_start3A_31 = tpu.memref_slice %arg11[%dma_start3A_29, %dma_start3A_30] : memref<10112x64xf32, #tpu.memory_space<vmem_shared>> -> memref<10112x64xf32, #tpu.memory_space<vmem_shared>>
    tpu.enqueue_indirect_dma source(%dma_start3A_31 : memref<10112x64xf32, #tpu.memory_space<vmem_shared>>) target(%arg9 : memref<128x64xf32, #tpu.memory_space<vmem>>) offsets(%dma_start3A_28 : memref<128xi32, #tpu.memory_space<vmem>>) semaphore(%arg14 : memref<!tpu.dma_semaphore, #tpu.memory_space<semaphore_mem>>)
    %scan3A_32 = arith.constant 0 : i32
    %scan3A_33 = arith.constant 0 : i32
    %scan3A_34 = arith.constant 39 : i32
    %scan3A_35 = arith.addi %scan3A_33, %scan3A_34 : i32
    %scan3A_36 = arith.constant 1 : i32
    scf.for %scan3A_80 = %scan3A_33 to %scan3A_35 step %scan3A_36  : i32 {
      %mul3A_81 = arith.constant 2 : i32
      %mul3A_82 = arith.muli %mul3A_81, %scan3A_80 : i32
      %dma_wait3A_83 = arith.constant 0 : i32
      %dma_wait3A_84 = tpu.memref_slice %arg6[%mul3A_82, %dma_wait3A_83] : memref<80x128xi32, #tpu.memory_space<vmem>> -> memref<1x128xi32, #tpu.memory_space<vmem>>
      %dma_wait3A_85 = tpu.memref_squeeze %dma_wait3A_84 : memref<1x128xi32, #tpu.memory_space<vmem>> -> memref<128xi32, #tpu.memory_space<vmem>>
      %dma_wait3A_86 = arith.constant 0 : i32
      %dma_wait3A_87 = arith.constant 0 : i32
      %dma_wait3A_88 = tpu.memref_slice %arg11[%dma_wait3A_86, %dma_wait3A_87] : memref<10112x64xf32, #tpu.memory_space<vmem_shared>> -> memref<10112x64xf32, #tpu.memory_space<vmem_shared>>
      tpu.wait_indirect_dma semaphore(%arg13 : memref<!tpu.dma_semaphore, #tpu.memory_space<semaphore_mem>>) src(%dma_wait3A_88 : memref<10112x64xf32, #tpu.memory_space<vmem_shared>>) dst(%arg8 : memref<128x64xf32, #tpu.memory_space<vmem>>)
      %dma_start3A_89 = arith.constant 0 : i32
      %dma_start3A_90 = tpu.memref_slice %arg7[%mul3A_82, %dma_start3A_89] : memref<80x128xi32, #tpu.memory_space<vmem>> -> memref<1x128xi32, #tpu.memory_space<vmem>>
      %dma_start3A_91 = tpu.memref_squeeze %dma_start3A_90 : memref<1x128xi32, #tpu.memory_space<vmem>> -> memref<128xi32, #tpu.memory_space<vmem>>
      %dma_start3A_92 = arith.constant 0 : i32
      %dma_start3A_93 = arith.constant 0 : i32
      %dma_start3A_94 = tpu.memref_slice %arg12[%dma_start3A_92, %dma_start3A_93] : memref<10240x64xf32, #tpu.memory_space<vmem_shared>> -> memref<10240x64xf32, #tpu.memory_space<vmem_shared>>
      tpu.enqueue_indirect_dma source(%arg8 : memref<128x64xf32, #tpu.memory_space<vmem>>) target(%dma_start3A_94 : memref<10240x64xf32, #tpu.memory_space<vmem_shared>>) offsets(%dma_start3A_91 : memref<128xi32, #tpu.memory_space<vmem>>) semaphore(%arg15 : memref<!tpu.dma_semaphore, #tpu.memory_space<semaphore_mem>>) {add = true}
      %add3A_95 = arith.constant 1 : i32
      %add3A_96 = arith.addi %mul3A_82, %add3A_95 : i32
      %dma_wait3A_97 = arith.constant 0 : i32
      %dma_wait3A_98 = tpu.memref_slice %arg6[%add3A_96, %dma_wait3A_97] : memref<80x128xi32, #tpu.memory_space<vmem>> -> memref<1x128xi32, #tpu.memory_space<vmem>>
      %dma_wait3A_99 = tpu.memref_squeeze %dma_wait3A_98 : memref<1x128xi32, #tpu.memory_space<vmem>> -> memref<128xi32, #tpu.memory_space<vmem>>
      %dma_wait3A_100 = arith.constant 0 : i32
      %dma_wait3A_101 = arith.constant 0 : i32
      %dma_wait3A_102 = tpu.memref_slice %arg11[%dma_wait3A_100, %dma_wait3A_101] : memref<10112x64xf32, #tpu.memory_space<vmem_shared>> -> memref<10112x64xf32, #tpu.memory_space<vmem_shared>>
      tpu.wait_indirect_dma semaphore(%arg14 : memref<!tpu.dma_semaphore, #tpu.memory_space<semaphore_mem>>) src(%dma_wait3A_102 : memref<10112x64xf32, #tpu.memory_space<vmem_shared>>) dst(%arg9 : memref<128x64xf32, #tpu.memory_space<vmem>>)
      %add3A_103 = arith.constant 1 : i32
      %add3A_104 = arith.addi %mul3A_82, %add3A_103 : i32
      %dma_start3A_105 = arith.constant 0 : i32
      %dma_start3A_106 = tpu.memref_slice %arg7[%add3A_104, %dma_start3A_105] : memref<80x128xi32, #tpu.memory_space<vmem>> -> memref<1x128xi32, #tpu.memory_space<vmem>>
      %dma_start3A_107 = tpu.memref_squeeze %dma_start3A_106 : memref<1x128xi32, #tpu.memory_space<vmem>> -> memref<128xi32, #tpu.memory_space<vmem>>
      %dma_start3A_108 = arith.constant 0 : i32
      %dma_start3A_109 = arith.constant 0 : i32
      %dma_start3A_110 = tpu.memref_slice %arg12[%dma_start3A_108, %dma_start3A_109] : memref<10240x64xf32, #tpu.memory_space<vmem_shared>> -> memref<10240x64xf32, #tpu.memory_space<vmem_shared>>
      tpu.enqueue_indirect_dma source(%arg9 : memref<128x64xf32, #tpu.memory_space<vmem>>) target(%dma_start3A_110 : memref<10240x64xf32, #tpu.memory_space<vmem_shared>>) offsets(%dma_start3A_107 : memref<128xi32, #tpu.memory_space<vmem>>) semaphore(%arg16 : memref<!tpu.dma_semaphore, #tpu.memory_space<semaphore_mem>>) {add = true}
      %dma_wait3A_111 = arith.constant 0 : i32
      %dma_wait3A_112 = tpu.memref_slice %arg7[%mul3A_82, %dma_wait3A_111] : memref<80x128xi32, #tpu.memory_space<vmem>> -> memref<1x128xi32, #tpu.memory_space<vmem>>
      %dma_wait3A_113 = tpu.memref_squeeze %dma_wait3A_112 : memref<1x128xi32, #tpu.memory_space<vmem>> -> memref<128xi32, #tpu.memory_space<vmem>>
      %dma_wait3A_114 = arith.constant 0 : i32
      %dma_wait3A_115 = arith.constant 0 : i32
      %dma_wait3A_116 = tpu.memref_slice %arg12[%dma_wait3A_114, %dma_wait3A_115] : memref<10240x64xf32, #tpu.memory_space<vmem_shared>> -> memref<10240x64xf32, #tpu.memory_space<vmem_shared>>
      tpu.wait_indirect_dma semaphore(%arg15 : memref<!tpu.dma_semaphore, #tpu.memory_space<semaphore_mem>>) src(%arg8 : memref<128x64xf32, #tpu.memory_space<vmem>>) dst(%dma_wait3A_116 : memref<10240x64xf32, #tpu.memory_space<vmem_shared>>)
      %add3A_117 = arith.constant 2 : i32
      %add3A_118 = arith.addi %mul3A_82, %add3A_117 : i32
      %dma_start3A_119 = arith.constant 0 : i32
      %dma_start3A_120 = tpu.memref_slice %arg6[%add3A_118, %dma_start3A_119] : memref<80x128xi32, #tpu.memory_space<vmem>> -> memref<1x128xi32, #tpu.memory_space<vmem>>
      %dma_start3A_121 = tpu.memref_squeeze %dma_start3A_120 : memref<1x128xi32, #tpu.memory_space<vmem>> -> memref<128xi32, #tpu.memory_space<vmem>>
      %dma_start3A_122 = arith.constant 0 : i32
      %dma_start3A_123 = arith.constant 0 : i32
      %dma_start3A_124 = tpu.memref_slice %arg11[%dma_start3A_122, %dma_start3A_123] : memref<10112x64xf32, #tpu.memory_space<vmem_shared>> -> memref<10112x64xf32, #tpu.memory_space<vmem_shared>>
      tpu.enqueue_indirect_dma source(%dma_start3A_124 : memref<10112x64xf32, #tpu.memory_space<vmem_shared>>) target(%arg8 : memref<128x64xf32, #tpu.memory_space<vmem>>) offsets(%dma_start3A_121 : memref<128xi32, #tpu.memory_space<vmem>>) semaphore(%arg13 : memref<!tpu.dma_semaphore, #tpu.memory_space<semaphore_mem>>)
      %add3A_125 = arith.constant 1 : i32
      %add3A_126 = arith.addi %mul3A_82, %add3A_125 : i32
      %dma_wait3A_127 = arith.constant 0 : i32
      %dma_wait3A_128 = tpu.memref_slice %arg7[%add3A_126, %dma_wait3A_127] : memref<80x128xi32, #tpu.memory_space<vmem>> -> memref<1x128xi32, #tpu.memory_space<vmem>>
      %dma_wait3A_129 = tpu.memref_squeeze %dma_wait3A_128 : memref<1x128xi32, #tpu.memory_space<vmem>> -> memref<128xi32, #tpu.memory_space<vmem>>
      %dma_wait3A_130 = arith.constant 0 : i32
      %dma_wait3A_131 = arith.constant 0 : i32
      %dma_wait3A_132 = tpu.memref_slice %arg12[%dma_wait3A_130, %dma_wait3A_131] : memref<10240x64xf32, #tpu.memory_space<vmem_shared>> -> memref<10240x64xf32, #tpu.memory_space<vmem_shared>>
      tpu.wait_indirect_dma semaphore(%arg16 : memref<!tpu.dma_semaphore, #tpu.memory_space<semaphore_mem>>) src(%arg9 : memref<128x64xf32, #tpu.memory_space<vmem>>) dst(%dma_wait3A_132 : memref<10240x64xf32, #tpu.memory_space<vmem_shared>>)
      %add3A_133 = arith.constant 3 : i32
      %add3A_134 = arith.addi %mul3A_82, %add3A_133 : i32
      %dma_start3A_135 = arith.constant 0 : i32
      %dma_start3A_136 = tpu.memref_slice %arg6[%add3A_134, %dma_start3A_135] : memref<80x128xi32, #tpu.memory_space<vmem>> -> memref<1x128xi32, #tpu.memory_space<vmem>>
      %dma_start3A_137 = tpu.memref_squeeze %dma_start3A_136 : memref<1x128xi32, #tpu.memory_space<vmem>> -> memref<128xi32, #tpu.memory_space<vmem>>
      %dma_start3A_138 = arith.constant 0 : i32
      %dma_start3A_139 = arith.constant 0 : i32
      %dma_start3A_140 = tpu.memref_slice %arg11[%dma_start3A_138, %dma_start3A_139] : memref<10112x64xf32, #tpu.memory_space<vmem_shared>> -> memref<10112x64xf32, #tpu.memory_space<vmem_shared>>
      tpu.enqueue_indirect_dma source(%dma_start3A_140 : memref<10112x64xf32, #tpu.memory_space<vmem_shared>>) target(%arg9 : memref<128x64xf32, #tpu.memory_space<vmem>>) offsets(%dma_start3A_137 : memref<128xi32, #tpu.memory_space<vmem>>) semaphore(%arg14 : memref<!tpu.dma_semaphore, #tpu.memory_space<semaphore_mem>>)
    }
    %scan3A_37 = arith.constant 39 : i32
    %dma_wait3A = arith.constant 78 : i32
    %dma_wait3A_38 = arith.constant 0 : i32
    %dma_wait3A_39 = tpu.memref_slice %arg6[%dma_wait3A, %dma_wait3A_38] : memref<80x128xi32, #tpu.memory_space<vmem>> -> memref<1x128xi32, #tpu.memory_space<vmem>>
    %dma_wait3A_40 = tpu.memref_squeeze %dma_wait3A_39 : memref<1x128xi32, #tpu.memory_space<vmem>> -> memref<128xi32, #tpu.memory_space<vmem>>
    %dma_wait3A_41 = arith.constant 0 : i32
    %dma_wait3A_42 = arith.constant 0 : i32
    %dma_wait3A_43 = tpu.memref_slice %arg11[%dma_wait3A_41, %dma_wait3A_42] : memref<10112x64xf32, #tpu.memory_space<vmem_shared>> -> memref<10112x64xf32, #tpu.memory_space<vmem_shared>>
    tpu.wait_indirect_dma semaphore(%arg13 : memref<!tpu.dma_semaphore, #tpu.memory_space<semaphore_mem>>) src(%dma_wait3A_43 : memref<10112x64xf32, #tpu.memory_space<vmem_shared>>) dst(%arg8 : memref<128x64xf32, #tpu.memory_space<vmem>>)
    %dma_start3A_44 = arith.constant 78 : i32
    %dma_start3A_45 = arith.constant 0 : i32
    %dma_start3A_46 = tpu.memref_slice %arg7[%dma_start3A_44, %dma_start3A_45] : memref<80x128xi32, #tpu.memory_space<vmem>> -> memref<1x128xi32, #tpu.memory_space<vmem>>
    %dma_start3A_47 = tpu.memref_squeeze %dma_start3A_46 : memref<1x128xi32, #tpu.memory_space<vmem>> -> memref<128xi32, #tpu.memory_space<vmem>>
    %dma_start3A_48 = arith.constant 0 : i32
    %dma_start3A_49 = arith.constant 0 : i32
    %dma_start3A_50 = tpu.memref_slice %arg12[%dma_start3A_48, %dma_start3A_49] : memref<10240x64xf32, #tpu.memory_space<vmem_shared>> -> memref<10240x64xf32, #tpu.memory_space<vmem_shared>>
    tpu.enqueue_indirect_dma source(%arg8 : memref<128x64xf32, #tpu.memory_space<vmem>>) target(%dma_start3A_50 : memref<10240x64xf32, #tpu.memory_space<vmem_shared>>) offsets(%dma_start3A_47 : memref<128xi32, #tpu.memory_space<vmem>>) semaphore(%arg15 : memref<!tpu.dma_semaphore, #tpu.memory_space<semaphore_mem>>) {add = true}
    %dma_wait3A_51 = arith.constant 79 : i32
    %dma_wait3A_52 = arith.constant 0 : i32
    %dma_wait3A_53 = tpu.memref_slice %arg6[%dma_wait3A_51, %dma_wait3A_52] : memref<80x128xi32, #tpu.memory_space<vmem>> -> memref<1x128xi32, #tpu.memory_space<vmem>>
    %dma_wait3A_54 = tpu.memref_squeeze %dma_wait3A_53 : memref<1x128xi32, #tpu.memory_space<vmem>> -> memref<128xi32, #tpu.memory_space<vmem>>
    %dma_wait3A_55 = arith.constant 0 : i32
    %dma_wait3A_56 = arith.constant 0 : i32
    %dma_wait3A_57 = tpu.memref_slice %arg11[%dma_wait3A_55, %dma_wait3A_56] : memref<10112x64xf32, #tpu.memory_space<vmem_shared>> -> memref<10112x64xf32, #tpu.memory_space<vmem_shared>>
    tpu.wait_indirect_dma semaphore(%arg14 : memref<!tpu.dma_semaphore, #tpu.memory_space<semaphore_mem>>) src(%dma_wait3A_57 : memref<10112x64xf32, #tpu.memory_space<vmem_shared>>) dst(%arg9 : memref<128x64xf32, #tpu.memory_space<vmem>>)
    %dma_start3A_58 = arith.constant 79 : i32
    %dma_start3A_59 = arith.constant 0 : i32
    %dma_start3A_60 = tpu.memref_slice %arg7[%dma_start3A_58, %dma_start3A_59] : memref<80x128xi32, #tpu.memory_space<vmem>> -> memref<1x128xi32, #tpu.memory_space<vmem>>
    %dma_start3A_61 = tpu.memref_squeeze %dma_start3A_60 : memref<1x128xi32, #tpu.memory_space<vmem>> -> memref<128xi32, #tpu.memory_space<vmem>>
    %dma_start3A_62 = arith.constant 0 : i32
    %dma_start3A_63 = arith.constant 0 : i32
    %dma_start3A_64 = tpu.memref_slice %arg12[%dma_start3A_62, %dma_start3A_63] : memref<10240x64xf32, #tpu.memory_space<vmem_shared>> -> memref<10240x64xf32, #tpu.memory_space<vmem_shared>>
    tpu.enqueue_indirect_dma source(%arg9 : memref<128x64xf32, #tpu.memory_space<vmem>>) target(%dma_start3A_64 : memref<10240x64xf32, #tpu.memory_space<vmem_shared>>) offsets(%dma_start3A_61 : memref<128xi32, #tpu.memory_space<vmem>>) semaphore(%arg16 : memref<!tpu.dma_semaphore, #tpu.memory_space<semaphore_mem>>) {add = true}
    %dma_wait3A_65 = arith.constant 78 : i32
    %dma_wait3A_66 = arith.constant 0 : i32
    %dma_wait3A_67 = tpu.memref_slice %arg7[%dma_wait3A_65, %dma_wait3A_66] : memref<80x128xi32, #tpu.memory_space<vmem>> -> memref<1x128xi32, #tpu.memory_space<vmem>>
    %dma_wait3A_68 = tpu.memref_squeeze %dma_wait3A_67 : memref<1x128xi32, #tpu.memory_space<vmem>> -> memref<128xi32, #tpu.memory_space<vmem>>
    %dma_wait3A_69 = arith.constant 0 : i32
    %dma_wait3A_70 = arith.constant 0 : i32
    %dma_wait3A_71 = tpu.memref_slice %arg12[%dma_wait3A_69, %dma_wait3A_70] : memref<10240x64xf32, #tpu.memory_space<vmem_shared>> -> memref<10240x64xf32, #tpu.memory_space<vmem_shared>>
    tpu.wait_indirect_dma semaphore(%arg15 : memref<!tpu.dma_semaphore, #tpu.memory_space<semaphore_mem>>) src(%arg8 : memref<128x64xf32, #tpu.memory_space<vmem>>) dst(%dma_wait3A_71 : memref<10240x64xf32, #tpu.memory_space<vmem_shared>>)
    %dma_wait3A_72 = arith.constant 79 : i32
    %dma_wait3A_73 = arith.constant 0 : i32
    %dma_wait3A_74 = tpu.memref_slice %arg7[%dma_wait3A_72, %dma_wait3A_73] : memref<80x128xi32, #tpu.memory_space<vmem>> -> memref<1x128xi32, #tpu.memory_space<vmem>>
    %dma_wait3A_75 = tpu.memref_squeeze %dma_wait3A_74 : memref<1x128xi32, #tpu.memory_space<vmem>> -> memref<128xi32, #tpu.memory_space<vmem>>
    %dma_wait3A_76 = arith.constant 0 : i32
    %dma_wait3A_77 = arith.constant 0 : i32
    %dma_wait3A_78 = tpu.memref_slice %arg12[%dma_wait3A_76, %dma_wait3A_77] : memref<10240x64xf32, #tpu.memory_space<vmem_shared>> -> memref<10240x64xf32, #tpu.memory_space<vmem_shared>>
    tpu.wait_indirect_dma semaphore(%arg16 : memref<!tpu.dma_semaphore, #tpu.memory_space<semaphore_mem>>) src(%arg9 : memref<128x64xf32, #tpu.memory_space<vmem>>) dst(%dma_wait3A_78 : memref<10240x64xf32, #tpu.memory_space<vmem_shared>>)
    %barrier3A_79 = arith.constant 0 : index
    tpu.barrier barrier_id(%barrier3A_79)
    "tpu.region"() ({
      %run_scoped3A = tpu.sem_alloc : memref<!tpu.dma_semaphore, #tpu.memory_space<semaphore_mem>>
      %dma_start3A_80 = arith.constant 0 : i32
      %dma_start3A_81 = tpu.memref_slice %arg5[%arg0, %mul3A_2, %dma_start3A_80] : memref<2x10240x64xf32, #tpu.memory_space<hbm>> -> memref<1x640x64xf32, #tpu.memory_space<hbm>>
      %dma_start3A_82 = tpu.memref_squeeze %dma_start3A_81 : memref<1x640x64xf32, #tpu.memory_space<hbm>> -> memref<640x64xf32, #tpu.memory_space<hbm>>
      %dma_start3A_83 = arith.constant 0 : i32
      %dma_start3A_84 = tpu.memref_slice %arg12[%mul3A_2, %dma_start3A_83] : memref<10240x64xf32, #tpu.memory_space<vmem_shared>> -> memref<640x64xf32, #tpu.memory_space<vmem_shared>>
      tpu.enqueue_dma source(%dma_start3A_84 : memref<640x64xf32, #tpu.memory_space<vmem_shared>>) target(%dma_start3A_82 : memref<640x64xf32, #tpu.memory_space<hbm>>) target_semaphore(%run_scoped3A : memref<!tpu.dma_semaphore, #tpu.memory_space<semaphore_mem>>)
      %dma_wait3A_85 = arith.constant 0 : i32
      %dma_wait3A_86 = tpu.memref_slice %arg5[%arg0, %mul3A_2, %dma_wait3A_85] : memref<2x10240x64xf32, #tpu.memory_space<hbm>> -> memref<1x640x64xf32, #tpu.memory_space<hbm>>
      %dma_wait3A_87 = tpu.memref_squeeze %dma_wait3A_86 : memref<1x640x64xf32, #tpu.memory_space<hbm>> -> memref<640x64xf32, #tpu.memory_space<hbm>>
      %dma_wait3A_88 = arith.constant 0 : i32
      %dma_wait3A_89 = tpu.memref_slice %arg12[%mul3A_2, %dma_wait3A_88] : memref<10240x64xf32, #tpu.memory_space<vmem_shared>> -> memref<640x64xf32, #tpu.memory_space<vmem_shared>>
      tpu.wait_dma2 semaphore(%run_scoped3A : memref<!tpu.dma_semaphore, #tpu.memory_space<semaphore_mem>>) src(%dma_wait3A_89 : memref<640x64xf32, #tpu.memory_space<vmem_shared>>) dst(%dma_wait3A_87 : memref<640x64xf32, #tpu.memory_space<hbm>>)
      tpu.yield
    }) : () -> ()
    return
  }
}

module attributes {stable_mosaic.version = 14 : i64} {
  func.func @_tc1_body(%arg0: i32, %arg1: memref<1264x128xf32, #tpu.memory_space<vmem>>, %arg2: memref<128x64xf32, #tpu.memory_space<vmem>>, %arg3: memref<128x64xf32, #tpu.memory_space<vmem>>, %arg4: memref<1264x64xf32, #tpu.memory_space<vmem>>, %arg5: memref<1264x64xf32, #tpu.memory_space<vmem>>) attributes {dimension_semantics = [#tpu.dimension_semantics<arbitrary>], iteration_bounds = array<i64: 8>, scalar_prefetch = 0 : i64, scratch_operands = 0 : i64, tpu.core_type = #tpu.core_type<tc>, window_params = [{transform_indices = @transform_0, window_bounds = array<i64: 1264, 128>}, {pipeline_mode = #tpu.pipeline_mode<synchronous>, transform_indices = @transform_1, window_bounds = array<i64: 128, 64>}, {pipeline_mode = #tpu.pipeline_mode<synchronous>, transform_indices = @transform_2, window_bounds = array<i64: 128, 64>}, {transform_indices = @transform_3, window_bounds = array<i64: 1264, 64>}, {transform_indices = @transform_4, window_bounds = array<i64: 1264, 64>}]} {
    %get3A = arith.constant 0 : index
    %get3A_0 = arith.constant 0 : index
    %get3A_1 = vector.load %arg1[%get3A, %get3A_0] : memref<1264x128xf32, #tpu.memory_space<vmem>>, vector<1264x128xf32>
    %get3A_2 = arith.constant 0 : index
    %get3A_3 = arith.constant 0 : index
    %get3A_4 = vector.load %arg2[%get3A_2, %get3A_3] : memref<128x64xf32, #tpu.memory_space<vmem>>, vector<128x64xf32>
    %dot_general3A = arith.constant dense<0.000000e+00> : vector<1264x64xf32>
    %dot_general3A_5 = tpu.matmul %get3A_1, %get3A_4, %dot_general3A {dimension_numbers = #tpu.dot_dimension_numbers<[1], [0], [0], [1], [0, 0, 1, 1], [], []>, precision = #tpu.contract_precision<fp32>, transpose_lhs_hint = false} : vector<1264x128xf32>, vector<128x64xf32>, vector<1264x64xf32> -> vector<1264x64xf32>
    %swap3A = arith.constant 0 : index
    %swap3A_6 = arith.constant 0 : index
    %swap3A_7 = vector.load %arg4[%swap3A, %swap3A_6] : memref<1264x64xf32, #tpu.memory_space<vmem>>, vector<1264x64xf32>
    tpu.vector_store %arg4[%swap3A, %swap3A_6], %dot_general3A_5 {strides = array<i32>} : memref<1264x64xf32, #tpu.memory_space<vmem>>, vector<1264x64xf32>,
    %get3A_8 = arith.constant 0 : index
    %get3A_9 = arith.constant 0 : index
    %get3A_10 = vector.load %arg3[%get3A_8, %get3A_9] : memref<128x64xf32, #tpu.memory_space<vmem>>, vector<128x64xf32>
    %dot_general3A_11 = arith.constant dense<0.000000e+00> : vector<1264x64xf32>
    %dot_general3A_12 = tpu.matmul %get3A_1, %get3A_10, %dot_general3A_11 {dimension_numbers = #tpu.dot_dimension_numbers<[1], [0], [0], [1], [0, 0, 1, 1], [], []>, precision = #tpu.contract_precision<fp32>, transpose_lhs_hint = false} : vector<1264x128xf32>, vector<128x64xf32>, vector<1264x64xf32> -> vector<1264x64xf32>
    %swap3A_13 = arith.constant 0 : index
    %swap3A_14 = arith.constant 0 : index
    %swap3A_15 = vector.load %arg5[%swap3A_13, %swap3A_14] : memref<1264x64xf32, #tpu.memory_space<vmem>>, vector<1264x64xf32>
    tpu.vector_store %arg5[%swap3A_13, %swap3A_14], %dot_general3A_12 {strides = array<i32>} : memref<1264x64xf32, #tpu.memory_space<vmem>>, vector<1264x64xf32>,
    return
  }
  func.func @transform_0(%arg0: i32) -> (i32, i32) {
    %c0_i32 = arith.constant 0 : i32
    %c0_i32_0 = arith.constant 0 : i32
    return %arg0, %c0_i32 : i32, i32
  }
  func.func @transform_1(%arg0: i32) -> (i32, i32) {
    %c0_i32 = arith.constant 0 : i32
    %c0_i32_0 = arith.constant 0 : i32
    %c0_i32_1 = arith.constant 0 : i32
    return %c0_i32, %c0_i32_0 : i32, i32
  }
  func.func @transform_2(%arg0: i32) -> (i32, i32) {
    %c0_i32 = arith.constant 0 : i32
    %c0_i32_0 = arith.constant 0 : i32
    %c0_i32_1 = arith.constant 0 : i32
    return %c0_i32, %c0_i32_0 : i32, i32
  }
  func.func @transform_3(%arg0: i32) -> (i32, i32) {
    %c0_i32 = arith.constant 0 : i32
    %c0_i32_0 = arith.constant 0 : i32
    return %arg0, %c0_i32 : i32, i32
  }
  func.func @transform_4(%arg0: i32) -> (i32, i32) {
    %c0_i32 = arith.constant 0 : i32
    %c0_i32_0 = arith.constant 0 : i32
    return %arg0, %c0_i32 : i32, i32
  }
}

module attributes {stable_mosaic.version = 14 : i64} {
  func.func @_mid_body(%arg0: i32, %arg1: memref<2x1264x64xf32, #tpu.memory_space<vmem>>, %arg2: memref<2x1264x16xf32, #tpu.memory_space<vmem>>, %arg3: memref<1264x64xf32, #tpu.memory_space<vmem>>, %arg4: memref<1x64xf32, #tpu.memory_space<vmem>>, %arg5: memref<64x64xf32, #tpu.memory_space<vmem>>, %arg6: memref<64x64xf32, #tpu.memory_space<vmem>>, %arg7: memref<1264x64xf32, #tpu.memory_space<vmem>>, %arg8: memref<1264x64xf32, #tpu.memory_space<vmem>>) attributes {dimension_semantics = [#tpu.dimension_semantics<arbitrary>], iteration_bounds = array<i64: 8>, scalar_prefetch = 0 : i64, scratch_operands = 0 : i64, tpu.core_type = #tpu.core_type<tc>, window_params = [{transform_indices = @transform_0, window_bounds = array<i64: 2, 1264, 64>}, {transform_indices = @transform_1, window_bounds = array<i64: 2, 1264, 16>}, {transform_indices = @transform_2, window_bounds = array<i64: 1264, 64>}, {pipeline_mode = #tpu.pipeline_mode<synchronous>, transform_indices = @transform_3, window_bounds = array<i64: 1, 64>}, {pipeline_mode = #tpu.pipeline_mode<synchronous>, transform_indices = @transform_4, window_bounds = array<i64: 64, 64>}, {pipeline_mode = #tpu.pipeline_mode<synchronous>, transform_indices = @transform_5, window_bounds = array<i64: 64, 64>}, {transform_indices = @transform_6, window_bounds = array<i64: 1264, 64>}, {transform_indices = @transform_7, window_bounds = array<i64: 1264, 64>}]} {
    %get3A = arith.constant 0 : index
    %get3A_0 = arith.constant 0 : index
    %get3A_1 = arith.constant 0 : index
    %get3A_2 = vector.load %arg1[%get3A, %get3A_0, %get3A_1] : memref<2x1264x64xf32, #tpu.memory_space<vmem>>, vector<1x1264x64xf32>
    %get3A_3 = vector.shape_cast %get3A_2 : vector<1x1264x64xf32> to vector<1264x64xf32>
    %get3A_4 = arith.constant 1 : index
    %get3A_5 = arith.constant 0 : index
    %get3A_6 = arith.constant 0 : index
    %get3A_7 = vector.load %arg1[%get3A_4, %get3A_5, %get3A_6] : memref<2x1264x64xf32, #tpu.memory_space<vmem>>, vector<1x1264x64xf32>
    %get3A_8 = vector.shape_cast %get3A_7 : vector<1x1264x64xf32> to vector<1264x64xf32>
    %add3A = arith.addf %get3A_3, %get3A_8 : vector<1264x64xf32>
    %get3A_9 = arith.constant 0 : index
    %get3A_10 = arith.constant 0 : index
    %get3A_11 = arith.constant 0 : index
    %get3A_12 = vector.load %arg2[%get3A_9, %get3A_10, %get3A_11] : memref<2x1264x16xf32, #tpu.memory_space<vmem>>, vector<1x1264x1xf32>
    %get3A_13 = vector.shape_cast %get3A_12 : vector<1x1264x1xf32> to vector<1264x1xf32>
    %get3A_14 = arith.constant 1 : index
    %get3A_15 = arith.constant 0 : index
    %get3A_16 = arith.constant 0 : index
    %get3A_17 = vector.load %arg2[%get3A_14, %get3A_15, %get3A_16] : memref<2x1264x16xf32, #tpu.memory_space<vmem>>, vector<1x1264x1xf32>
    %get3A_18 = vector.shape_cast %get3A_17 : vector<1x1264x1xf32> to vector<1264x1xf32>
    %add3A_19 = arith.addf %get3A_13, %get3A_18 : vector<1264x1xf32>
    %max3A = arith.constant 1.000000e+00 : f32
    %max3A_20 = vector.broadcast %max3A : f32 to vector<1264x1xf32>
    %max3A_21 = arith.maximumf %add3A_19, %max3A_20 : vector<1264x1xf32>
    %div3A = vector.broadcast %max3A_21 : vector<1264x1xf32> to vector<1264x64xf32>
    %div3A_22 = arith.divf %add3A, %div3A : vector<1264x64xf32>
    %get3A_23 = arith.constant 0 : index
    %get3A_24 = arith.constant 0 : index
    %get3A_25 = vector.load %arg3[%get3A_23, %get3A_24] : memref<1264x64xf32, #tpu.memory_space<vmem>>, vector<1264x64xf32>
    %add3A_26 = arith.addf %div3A_22, %get3A_25 : vector<1264x64xf32>
    %get3A_27 = arith.constant 0 : index
    %get3A_28 = arith.constant 0 : index
    %get3A_29 = vector.load %arg4[%get3A_27, %get3A_28] : memref<1x64xf32, #tpu.memory_space<vmem>>, vector<1x64xf32>
    %add3A_30 = vector.broadcast %get3A_29 : vector<1x64xf32> to vector<1264x64xf32>
    %add3A_31 = arith.addf %add3A_26, %add3A_30 : vector<1264x64xf32>
    %max3A_32 = arith.constant 0.000000e+00 : f32
    %max3A_33 = vector.broadcast %max3A_32 : f32 to vector<1264x64xf32>
    %max3A_34 = arith.maximumf %add3A_31, %max3A_33 : vector<1264x64xf32>
    %get3A_35 = arith.constant 0 : index
    %get3A_36 = arith.constant 0 : index
    %get3A_37 = vector.load %arg5[%get3A_35, %get3A_36] : memref<64x64xf32, #tpu.memory_space<vmem>>, vector<64x64xf32>
    %dot_general3A = arith.constant dense<0.000000e+00> : vector<1264x64xf32>
    %dot_general3A_38 = tpu.matmul %max3A_34, %get3A_37, %dot_general3A {dimension_numbers = #tpu.dot_dimension_numbers<[1], [0], [0], [1], [0, 0, 1, 1], [], []>, precision = #tpu.contract_precision<fp32>, transpose_lhs_hint = false} : vector<1264x64xf32>, vector<64x64xf32>, vector<1264x64xf32> -> vector<1264x64xf32>
    %swap3A = arith.constant 0 : index
    %swap3A_39 = arith.constant 0 : index
    %swap3A_40 = vector.load %arg7[%swap3A, %swap3A_39] : memref<1264x64xf32, #tpu.memory_space<vmem>>, vector<1264x64xf32>
    tpu.vector_store %arg7[%swap3A, %swap3A_39], %dot_general3A_38 {strides = array<i32>} : memref<1264x64xf32, #tpu.memory_space<vmem>>, vector<1264x64xf32>,
    %get3A_41 = arith.constant 0 : index
    %get3A_42 = arith.constant 0 : index
    %get3A_43 = vector.load %arg6[%get3A_41, %get3A_42] : memref<64x64xf32, #tpu.memory_space<vmem>>, vector<64x64xf32>
    %dot_general3A_44 = arith.constant dense<0.000000e+00> : vector<1264x64xf32>
    %dot_general3A_45 = tpu.matmul %max3A_34, %get3A_43, %dot_general3A_44 {dimension_numbers = #tpu.dot_dimension_numbers<[1], [0], [0], [1], [0, 0, 1, 1], [], []>, precision = #tpu.contract_precision<fp32>, transpose_lhs_hint = false} : vector<1264x64xf32>, vector<64x64xf32>, vector<1264x64xf32> -> vector<1264x64xf32>
    %swap3A_46 = arith.constant 0 : index
    %swap3A_47 = arith.constant 0 : index
    %swap3A_48 = vector.load %arg8[%swap3A_46, %swap3A_47] : memref<1264x64xf32, #tpu.memory_space<vmem>>, vector<1264x64xf32>
    tpu.vector_store %arg8[%swap3A_46, %swap3A_47], %dot_general3A_45 {strides = array<i32>} : memref<1264x64xf32, #tpu.memory_space<vmem>>, vector<1264x64xf32>,
    return
  }
  func.func @transform_0(%arg0: i32) -> (i32, i32, i32) {
    %c0_i32 = arith.constant 0 : i32
    %c0_i32_0 = arith.constant 0 : i32
    %c0_i32_1 = arith.constant 0 : i32
    return %c0_i32, %arg0, %c0_i32_0 : i32, i32, i32
  }
  func.func @transform_1(%arg0: i32) -> (i32, i32, i32) {
    %c0_i32 = arith.constant 0 : i32
    %c0_i32_0 = arith.constant 0 : i32
    %c0_i32_1 = arith.constant 0 : i32
    return %c0_i32, %arg0, %c0_i32_0 : i32, i32, i32
  }
  func.func @transform_2(%arg0: i32) -> (i32, i32) {
    %c0_i32 = arith.constant 0 : i32
    %c0_i32_0 = arith.constant 0 : i32
    return %arg0, %c0_i32 : i32, i32
  }
  func.func @transform_3(%arg0: i32) -> (i32, i32) {
    %c0_i32 = arith.constant 0 : i32
    %c0_i32_0 = arith.constant 0 : i32
    %c0_i32_1 = arith.constant 0 : i32
    return %c0_i32, %c0_i32_0 : i32, i32
  }
  func.func @transform_4(%arg0: i32) -> (i32, i32) {
    %c0_i32 = arith.constant 0 : i32
    %c0_i32_0 = arith.constant 0 : i32
    %c0_i32_1 = arith.constant 0 : i32
    return %c0_i32, %c0_i32_0 : i32, i32
  }
  func.func @transform_5(%arg0: i32) -> (i32, i32) {
    %c0_i32 = arith.constant 0 : i32
    %c0_i32_0 = arith.constant 0 : i32
    %c0_i32_1 = arith.constant 0 : i32
    return %c0_i32, %c0_i32_0 : i32, i32
  }
  func.func @transform_6(%arg0: i32) -> (i32, i32) {
    %c0_i32 = arith.constant 0 : i32
    %c0_i32_0 = arith.constant 0 : i32
    return %arg0, %c0_i32 : i32, i32
  }
  func.func @transform_7(%arg0: i32) -> (i32, i32) {
    %c0_i32 = arith.constant 0 : i32
    %c0_i32_0 = arith.constant 0 : i32
    return %arg0, %c0_i32 : i32, i32
  }
}

module attributes {stable_mosaic.version = 14 : i64} {
  func.func @_post_body(%arg0: i32, %arg1: memref<2x1000x64xf32, #tpu.memory_space<vmem>>, %arg2: memref<2x1000x16xf32, #tpu.memory_space<vmem>>, %arg3: memref<1000x64xf32, #tpu.memory_space<vmem>>, %arg4: memref<1x64xf32, #tpu.memory_space<vmem>>, %arg5: memref<1000x1xf32, #tpu.memory_space<vmem>>, %arg6: memref<64x2xf32, #tpu.memory_space<vmem>>, %arg7: memref<1x2xf32, #tpu.memory_space<vmem>>, %arg8: memref<128x2xf32, #tpu.memory_space<vmem>>, %arg9: memref<128x64xf32, #tpu.memory_space<vmem>>, %arg10: memref<128x1xf32, #tpu.memory_space<vmem>>) attributes {dimension_semantics = [#tpu.dimension_semantics<arbitrary>], iteration_bounds = array<i64: 10>, scalar_prefetch = 0 : i64, scratch_operands = 2 : i64, tpu.core_type = #tpu.core_type<tc>, window_params = [{transform_indices = @transform_0, window_bounds = array<i64: 2, 1000, 64>}, {transform_indices = @transform_1, window_bounds = array<i64: 2, 1000, 16>}, {transform_indices = @transform_2, window_bounds = array<i64: 1000, 64>}, {pipeline_mode = #tpu.pipeline_mode<synchronous>, transform_indices = @transform_3, window_bounds = array<i64: 1, 64>}, {transform_indices = @transform_4, window_bounds = array<i64: 1000, 1>}, {pipeline_mode = #tpu.pipeline_mode<synchronous>, transform_indices = @transform_5, window_bounds = array<i64: 64, 2>}, {pipeline_mode = #tpu.pipeline_mode<synchronous>, transform_indices = @transform_6, window_bounds = array<i64: 1, 2>}, {pipeline_mode = #tpu.pipeline_mode<synchronous>, transform_indices = @transform_7, window_bounds = array<i64: 128, 2>}]} {
    %get3A = arith.constant 0 : index
    %get3A_0 = arith.constant 0 : index
    %get3A_1 = arith.constant 0 : index
    %get3A_2 = vector.load %arg1[%get3A, %get3A_0, %get3A_1] : memref<2x1000x64xf32, #tpu.memory_space<vmem>>, vector<1x1000x64xf32>
    %get3A_3 = vector.shape_cast %get3A_2 : vector<1x1000x64xf32> to vector<1000x64xf32>
    %get3A_4 = arith.constant 1 : index
    %get3A_5 = arith.constant 0 : index
    %get3A_6 = arith.constant 0 : index
    %get3A_7 = vector.load %arg1[%get3A_4, %get3A_5, %get3A_6] : memref<2x1000x64xf32, #tpu.memory_space<vmem>>, vector<1x1000x64xf32>
    %get3A_8 = vector.shape_cast %get3A_7 : vector<1x1000x64xf32> to vector<1000x64xf32>
    %add3A = arith.addf %get3A_3, %get3A_8 : vector<1000x64xf32>
    %get3A_9 = arith.constant 0 : index
    %get3A_10 = arith.constant 0 : index
    %get3A_11 = arith.constant 0 : index
    %get3A_12 = vector.load %arg2[%get3A_9, %get3A_10, %get3A_11] : memref<2x1000x16xf32, #tpu.memory_space<vmem>>, vector<1x1000x1xf32>
    %get3A_13 = vector.shape_cast %get3A_12 : vector<1x1000x1xf32> to vector<1000x1xf32>
    %get3A_14 = arith.constant 1 : index
    %get3A_15 = arith.constant 0 : index
    %get3A_16 = arith.constant 0 : index
    %get3A_17 = vector.load %arg2[%get3A_14, %get3A_15, %get3A_16] : memref<2x1000x16xf32, #tpu.memory_space<vmem>>, vector<1x1000x1xf32>
    %get3A_18 = vector.shape_cast %get3A_17 : vector<1x1000x1xf32> to vector<1000x1xf32>
    %add3A_19 = arith.addf %get3A_13, %get3A_18 : vector<1000x1xf32>
    %max3A = arith.constant 1.000000e+00 : f32
    %max3A_20 = vector.broadcast %max3A : f32 to vector<1000x1xf32>
    %max3A_21 = arith.maximumf %add3A_19, %max3A_20 : vector<1000x1xf32>
    %div3A = vector.broadcast %max3A_21 : vector<1000x1xf32> to vector<1000x64xf32>
    %div3A_22 = arith.divf %add3A, %div3A : vector<1000x64xf32>
    %get3A_23 = arith.constant 0 : index
    %get3A_24 = arith.constant 0 : index
    %get3A_25 = vector.load %arg3[%get3A_23, %get3A_24] : memref<1000x64xf32, #tpu.memory_space<vmem>>, vector<1000x64xf32>
    %add3A_26 = arith.addf %div3A_22, %get3A_25 : vector<1000x64xf32>
    %get3A_27 = arith.constant 0 : index
    %get3A_28 = arith.constant 0 : index
    %get3A_29 = vector.load %arg4[%get3A_27, %get3A_28] : memref<1x64xf32, #tpu.memory_space<vmem>>, vector<1x64xf32>
    %add3A_30 = vector.broadcast %get3A_29 : vector<1x64xf32> to vector<1000x64xf32>
    %add3A_31 = arith.addf %add3A_26, %add3A_30 : vector<1000x64xf32>
    %max3A_32 = arith.constant 0.000000e+00 : f32
    %max3A_33 = vector.broadcast %max3A_32 : f32 to vector<1000x64xf32>
    %max3A_34 = arith.maximumf %add3A_31, %max3A_33 : vector<1000x64xf32>
    %get3A_35 = arith.constant 0 : index
    %get3A_36 = arith.constant 0 : index
    %get3A_37 = vector.load %arg5[%get3A_35, %get3A_36] : memref<1000x1xf32, #tpu.memory_space<vmem>>, vector<1000x1xf32>
    %iota3A = tpu.iota {dimensions = array<i32: 1>} : vector<1x128xi32>
    %convert_element_type3A = arith.sitofp %iota3A : vector<1x128xi32> to vector<1x128xf32>
    %eq3A = vector.broadcast %get3A_37 : vector<1000x1xf32> to vector<1000x128xf32>
    %eq3A_38 = vector.broadcast %convert_element_type3A : vector<1x128xf32> to vector<1000x128xf32>
    %eq3A_39 = arith.cmpf oeq, %eq3A, %eq3A_38 : vector<1000x128xf32>
    %convert_element_type3A_40 = arith.extui %eq3A_39 : vector<1000x128xi1> to vector<1000x128xi32>
    %convert_element_type3A_41 = arith.sitofp %convert_element_type3A_40 : vector<1000x128xi32> to vector<1000x128xf32>
    %dot_general3A = arith.constant dense<0.000000e+00> : vector<128x64xf32>
    %dot_general3A_42 = tpu.matmul %convert_element_type3A_41, %max3A_34, %dot_general3A {dimension_numbers = #tpu.dot_dimension_numbers<[0], [0], [1], [1], [0, 1, 1, 1], [], []>, precision = #tpu.contract_precision<fp32>, transpose_lhs_hint = false} : vector<1000x128xf32>, vector<1000x64xf32>, vector<128x64xf32> -> vector<128x64xf32>
    %broadcast_in_dim3A = arith.constant 1.000000e+00 : f32
    %broadcast_in_dim3A_43 = vector.broadcast %broadcast_in_dim3A : f32 to vector<1000x1xf32>
    %dot_general3A_44 = arith.constant dense<0.000000e+00> : vector<128x1xf32>
    %dot_general3A_45 = tpu.matmul %convert_element_type3A_41, %broadcast_in_dim3A_43, %dot_general3A_44 {dimension_numbers = #tpu.dot_dimension_numbers<[0], [0], [1], [1], [0, 1, 1, 1], [], []>, precision = #tpu.contract_precision<fp32>, transpose_lhs_hint = false} : vector<1000x128xf32>, vector<1000x1xf32>, vector<128x1xf32> -> vector<128x1xf32>
    %eq3A_46 = arith.constant 0 : i32
    %eq3A_47 = arith.cmpi eq, %arg0, %eq3A_46 : i32
    %convert_element_type3A_48 = arith.extui %eq3A_47 : i1 to i32
    %cond3A = arith.constant 0 : i32
    %cond3A_49 = arith.cmpi ne, %convert_element_type3A_48, %cond3A : i32
    scf.if %cond3A_49 {
      %swap3A = arith.constant 0 : index
      %swap3A_59 = arith.constant 0 : index
      %swap3A_60 = vector.load %arg9[%swap3A, %swap3A_59] : memref<128x64xf32, #tpu.memory_space<vmem>>, vector<128x64xf32>
      tpu.vector_store %arg9[%swap3A, %swap3A_59], %dot_general3A_42 {strides = array<i32>} : memref<128x64xf32, #tpu.memory_space<vmem>>, vector<128x64xf32>,
      %swap3A_61 = arith.constant 0 : index
      %swap3A_62 = arith.constant 0 : index
      %swap3A_63 = vector.load %arg10[%swap3A_61, %swap3A_62] : memref<128x1xf32, #tpu.memory_space<vmem>>, vector<128x1xf32>
      tpu.vector_store %arg10[%swap3A_61, %swap3A_62], %dot_general3A_45 {strides = array<i32>} : memref<128x1xf32, #tpu.memory_space<vmem>>, vector<128x1xf32>,
    } else {
    }
    %gt3A = arith.constant 0 : i32
    %gt3A_50 = arith.cmpi sgt, %arg0, %gt3A : i32
    %convert_element_type3A_51 = arith.extui %gt3A_50 : i1 to i32
    %cond3A_52 = arith.constant 0 : i32
    %cond3A_53 = arith.cmpi ne, %convert_element_type3A_51, %cond3A_52 : i32
    scf.if %cond3A_53 {
      %get3A_59 = arith.constant 0 : index
      %get3A_60 = arith.constant 0 : index
      %get3A_61 = vector.load %arg9[%get3A_59, %get3A_60] : memref<128x64xf32, #tpu.memory_space<vmem>>, vector<128x64xf32>
      %add3A_62 = arith.addf %get3A_61, %dot_general3A_42 : vector<128x64xf32>
      %swap3A = arith.constant 0 : index
      %swap3A_63 = arith.constant 0 : index
      %swap3A_64 = vector.load %arg9[%swap3A, %swap3A_63] : memref<128x64xf32, #tpu.memory_space<vmem>>, vector<128x64xf32>
      tpu.vector_store %arg9[%swap3A, %swap3A_63], %add3A_62 {strides = array<i32>} : memref<128x64xf32, #tpu.memory_space<vmem>>, vector<128x64xf32>,
      %get3A_65 = arith.constant 0 : index
      %get3A_66 = arith.constant 0 : index
      %get3A_67 = vector.load %arg10[%get3A_65, %get3A_66] : memref<128x1xf32, #tpu.memory_space<vmem>>, vector<128x1xf32>
      %add3A_68 = arith.addf %get3A_67, %dot_general3A_45 : vector<128x1xf32>
      %swap3A_69 = arith.constant 0 : index
      %swap3A_70 = arith.constant 0 : index
      %swap3A_71 = vector.load %arg10[%swap3A_69, %swap3A_70] : memref<128x1xf32, #tpu.memory_space<vmem>>, vector<128x1xf32>
      tpu.vector_store %arg10[%swap3A_69, %swap3A_70], %add3A_68 {strides = array<i32>} : memref<128x1xf32, #tpu.memory_space<vmem>>, vector<128x1xf32>,
    } else {
    }
    %eq3A_54 = arith.constant 9 : i32
    %eq3A_55 = arith.cmpi eq, %arg0, %eq3A_54 : i32
    %convert_element_type3A_56 = arith.extui %eq3A_55 : i1 to i32
    %cond3A_57 = arith.constant 0 : i32
    %cond3A_58 = arith.cmpi ne, %convert_element_type3A_56, %cond3A_57 : i32
    scf.if %cond3A_58 {
      %get3A_59 = arith.constant 0 : index
      %get3A_60 = arith.constant 0 : index
      %get3A_61 = vector.load %arg9[%get3A_59, %get3A_60] : memref<128x64xf32, #tpu.memory_space<vmem>>, vector<128x64xf32>
      %get3A_62 = arith.constant 0 : index
      %get3A_63 = arith.constant 0 : index
      %get3A_64 = vector.load %arg10[%get3A_62, %get3A_63] : memref<128x1xf32, #tpu.memory_space<vmem>>, vector<128x1xf32>
      %max3A_65 = arith.constant 1.000000e+00 : f32
      %max3A_66 = vector.broadcast %max3A_65 : f32 to vector<128x1xf32>
      %max3A_67 = arith.maximumf %get3A_64, %max3A_66 : vector<128x1xf32>
      %div3A_68 = vector.broadcast %max3A_67 : vector<128x1xf32> to vector<128x64xf32>
      %div3A_69 = arith.divf %get3A_61, %div3A_68 : vector<128x64xf32>
      %get3A_70 = arith.constant 0 : index
      %get3A_71 = arith.constant 0 : index
      %get3A_72 = vector.load %arg6[%get3A_70, %get3A_71] : memref<64x2xf32, #tpu.memory_space<vmem>>, vector<64x2xf32>
      %dot_general3A_73 = arith.constant dense<0.000000e+00> : vector<128x2xf32>
      %dot_general3A_74 = tpu.matmul %div3A_69, %get3A_72, %dot_general3A_73 {dimension_numbers = #tpu.dot_dimension_numbers<[1], [0], [0], [1], [0, 0, 1, 1], [], []>, precision = #tpu.contract_precision<fp32>, transpose_lhs_hint = false} : vector<128x64xf32>, vector<64x2xf32>, vector<128x2xf32> -> vector<128x2xf32>
      %get3A_75 = arith.constant 0 : index
      %get3A_76 = arith.constant 0 : index
      %get3A_77 = vector.load %arg7[%get3A_75, %get3A_76] : memref<1x2xf32, #tpu.memory_space<vmem>>, vector<1x2xf32>
      %add3A_78 = vector.broadcast %get3A_77 : vector<1x2xf32> to vector<128x2xf32>
      %add3A_79 = arith.addf %dot_general3A_74, %add3A_78 : vector<128x2xf32>
      %swap3A = arith.constant 0 : index
      %swap3A_80 = arith.constant 0 : index
      %swap3A_81 = vector.load %arg8[%swap3A, %swap3A_80] : memref<128x2xf32, #tpu.memory_space<vmem>>, vector<128x2xf32>
      tpu.vector_store %arg8[%swap3A, %swap3A_80], %add3A_79 {strides = array<i32>} : memref<128x2xf32, #tpu.memory_space<vmem>>, vector<128x2xf32>,
    } else {
    }
    return
  }
  func.func @transform_0(%arg0: i32) -> (i32, i32, i32) {
    %c0_i32 = arith.constant 0 : i32
    %c0_i32_0 = arith.constant 0 : i32
    %c0_i32_1 = arith.constant 0 : i32
    return %c0_i32, %arg0, %c0_i32_0 : i32, i32, i32
  }
  func.func @transform_1(%arg0: i32) -> (i32, i32, i32) {
    %c0_i32 = arith.constant 0 : i32
    %c0_i32_0 = arith.constant 0 : i32
    %c0_i32_1 = arith.constant 0 : i32
    return %c0_i32, %arg0, %c0_i32_0 : i32, i32, i32
  }
  func.func @transform_2(%arg0: i32) -> (i32, i32) {
    %c0_i32 = arith.constant 0 : i32
    %c0_i32_0 = arith.constant 0 : i32
    return %arg0, %c0_i32 : i32, i32
  }
  func.func @transform_3(%arg0: i32) -> (i32, i32) {
    %c0_i32 = arith.constant 0 : i32
    %c0_i32_0 = arith.constant 0 : i32
    %c0_i32_1 = arith.constant 0 : i32
    return %c0_i32, %c0_i32_0 : i32, i32
  }
  func.func @transform_4(%arg0: i32) -> (i32, i32) {
    %c0_i32 = arith.constant 0 : i32
    %c0_i32_0 = arith.constant 0 : i32
    return %arg0, %c0_i32 : i32, i32
  }
  func.func @transform_5(%arg0: i32) -> (i32, i32) {
    %c0_i32 = arith.constant 0 : i32
    %c0_i32_0 = arith.constant 0 : i32
    %c0_i32_1 = arith.constant 0 : i32
    return %c0_i32, %c0_i32_0 : i32, i32
  }
  func.func @transform_6(%arg0: i32) -> (i32, i32) {
    %c0_i32 = arith.constant 0 : i32
    %c0_i32_0 = arith.constant 0 : i32
    %c0_i32_1 = arith.constant 0 : i32
    return %c0_i32, %c0_i32_0 : i32, i32
  }
  func.func @transform_7(%arg0: i32) -> (i32, i32) {
    %c0_i32 = arith.constant 0 : i32
    %c0_i32_0 = arith.constant 0 : i32
    %c0_i32_1 = arith.constant 0 : i32
    return %c0_i32, %c0_i32_0 : i32, i32
  }
}

</mosaic_0001>

<sc_bundles>
// kernel: kernel.11.cloned.1.call-start
scs
__scs_entry_jumppad:
0x0: {  	(pc) =	sbr.rel $0x88, $3  }
0x1: {  	(tag) =	ssettag $0x0;
	lr =	simm.s32 $0x1  }
0x2: {  	[smem:$0x3F96] =	sst lr;
	_ =	strace $0xD0000000  }
0x3: {  	_ = 	snop  }
0x4: {  	_ = 	snop  }
0x5: {  	_ = 	snop  }
0x6: {  	_ = 	snop  }
0x7: {  	_ = 	snop  }
__scs_overlays_trampoline_lowered:
0x8: {  	[smem:$0x3FA5] =	sst s0  }
0x9: {  	[smem:$0x3FA6] =	sst s1  }
0xa: {  	[smem:$0x3FA7] =	sst s2  }
0xb: {  	[smem:$0x3FA8] =	sst s3  }
0xc: {  	[smem:$0x3FA9] =	sst s4  }
0xd: {  	[smem:$0x3FAA] =	sst s5  }
0xe: {  	[smem:$0x3FAB] =	sst s6  }
0xf: {  	[smem:$0x3FAC] =	sst s7  }
0x10: {  	[smem:$0x3FAD] =	sst s8  }
0x11: {  	[smem:$0x3FAE] =	sst s9;
	s0 =	simm.s32 @!p0 $0x0  }
0x12: {  	s1 =	sld [smem:$0x3F94];
	s0 =	simm.s32 @p0 $0x1  }
0x13: {  	[smem:$0x3FAF] =	sst s0;
	s0 =	simm.s32 @!p1 $0x0  }
0x14: {  	s2 =	sld [smem:$0x3F93];
	s0 =	simm.s32 @p1 $0x1  }
0x15: {  	[smem:$0x3FB0] =	sst s0;
	s0 =	simm.s32 @!p2 $0x0  }
0x16: {  	s3 =	sld [smem:$0x3FDB];
	s0 =	simm.s32 @p2 $0x1  }
0x17: {  	s4 =	simm.s32 $0x1BF5;
	[smem:$0x3FB2] =	sst s0  }
0x18: {  	s0 =	sld [smem:$0x3F95];
	_ =	swait.ge [sflag:s4], $0x0  }
0x19: {  	s7 =	sld [smem:$0x3F96]  }
0x1a: {  	s8 =	sadd.s32 $0xFFFFE003, lr  }
0x1b: {  	s9 =	sadd.s32 $0xFFFFFEF7, lr;
	s5 =	simm.s32 $0xFFFFFFFF;
	p2 =	slt.u32 s8, $0xFFFFF086  }
0x1c: {  	p1 =	slt.u32 s9, $0xF7A;
	s5 =	simm.s32 @!p2 $0x0  }
0x1d: {  	s5 =	simm.s32 @p1 $0x1;
	p0 =	seq.s32 s7, s2  }
0x1e: {  	s7 =	smul.u32 @!p0 $0xF7A, s2;
	p2 =	seq.s32 @!p0 s5, $0x0  }
0x1f: {  	s9 =	smul.u32 $0xF7A, s1;
	s8 =	simm.s32 @!p0 $0x1BF5;
	p2 =	por !p2, p0  }
0x20: {  	[sflag:s8] =	ssyncset.s32 @!p0 $0xFFFFF086;
	s6 =	sadd.s32 @!p0 s3, s7;
	s7 =	simm.s32 @!p0 $0x108  }
0x21: {  	s3 =	sadd.s32 s3, s9;
	s6 =	sadd.s32 @!p0 $0x88, s6;
	s7 =	simm.s32 @p2 $0x1082  }
0x22: {  	[simem:s7], [sflag:s8] =	dma.local @!p0 [hbm:s6], $0xF7A  }
0x23: {  	s9 =	sor.u32 $0xD0000000, s2;
	s6 =	simm.s32 $0x108;
	_ =	swait.ge @!p0 [sflag:s8], $0x0  }
0x24: {  	s3 =	sadd.s32 $0x88, s3;
	s6 =	simm.s32 @!p1 $0x1082;
	[sflag:s4] =	ssyncset.s32 $0xFFFFF086  }
0x25: {  	[simem:s6], [sflag:s4] =	dma.local [hbm:s3], $0xF7A  }
0x26: {  	[smem:$0x3F96] =	sst s1;
	(tag) =	ssettag s2;
	_ =	strace s9  }
0x27: {  	s1 =	sld [smem:$0x3FA6]  }
0x28: {  	s2 =	sld [smem:$0x3FA7]  }
0x29: {  	s4 =	sld [smem:$0x3FA9]  }
0x2a: {  	p0 =	seq.s32 s5, $0x0;
	s5 =	sld [smem:$0x3FAA]  }
0x2b: {  	s6 =	sld [smem:$0x3FAB]  }
0x2c: {  	s7 =	sld [smem:$0x3FAC]  }
0x2d: {  	s3 =	simm.s32 $0x108;
	s8 =	sld [smem:$0x3FAD]  }
0x2e: {  	s3 =	simm.s32 @!p0 $0x1082;
	s9 =	sld [smem:$0x3FAE]  }
0x2f: {  	lr =	sadd.s32 s0, s3;
	s0 =	sld [smem:$0x3FA5]  }
0x30: {  	s3 =	sld [smem:$0x3FA8]  }
0x31: {  	[smem:$0x3FB1] =	sst s10  }
0x32: {  	s10 =	sld [smem:$0x3FAF];
	_ =	sdelay $0x3  }
0x33: {  	p0 =	seq.s32 s10, $0x1;
	s10 =	sld [smem:$0x3FB1];
	_ =	sdelay $0x3  }
0x34: {  	[smem:$0x3FB1] =	sst s10  }
0x35: {  	s10 =	sld [smem:$0x3FB0];
	_ =	sdelay $0x3  }
0x36: {  	p1 =	seq.s32 s10, $0x1;
	s10 =	sld [smem:$0x3FB1];
	_ =	sdelay $0x3  }
0x37: {  	[smem:$0x3FB1] =	sst s10  }
0x38: {  	s10 =	sld [smem:$0x3FB2]  }
0x39: {  	_ = 	snop;
	(pc) =	sbr.ind lr, $3  }
0x3a: {  	_ = 	snop  }
0x3b: {  	_ = 	snop  }
0x3c: {  	p2 =	seq.s32 s10, $0x1;
	s10 =	sld [smem:$0x3FB1]  }
0x3d: {  	_ =	shalt  }
0x3e: {  	_ =	shalt  }
0x3f: {  	_ =	shalt  }
0x40: {  	_ =	shalt  }
0x41: {  	_ =	shalt  }
0x42: {  	_ =	shalt  }
0x43: {  	_ =	shalt  }
0x44: {  	_ =	shalt  }
0x45: {  	_ =	shalt  }
0x46: {  	_ =	shalt  }
0x47: {  	_ =	shalt  }
0x48: {  	_ =	shalt  }
0x49: {  	_ =	shalt  }
0x4a: {  	_ =	shalt  }
0x4b: {  	_ =	shalt  }
0x4c: {  	_ =	shalt  }
0x4d: {  	_ =	shalt  }
0x4e: {  	_ =	shalt  }
0x4f: {  	_ =	shalt  }
0x50: {  	_ =	shalt  }
0x51: {  	_ =	shalt  }
0x52: {  	_ =	shalt  }
0x53: {  	_ =	shalt  }
0x54: {  	_ =	shalt  }
0x55: {  	_ =	shalt  }
0x56: {  	_ =	shalt  }
0x57: {  	_ =	shalt  }
0x58: {  	_ =	shalt  }
0x59: {  	_ =	shalt  }
0x5a: {  	_ =	shalt  }
0x5b: {  	_ =	shalt  }
0x5c: {  	_ =	shalt  }
0x5d: {  	_ =	shalt  }
0x5e: {  	_ =	shalt  }
0x5f: {  	_ =	shalt  }
0x60: {  	_ =	shalt  }
0x61: {  	_ =	shalt  }
0x62: {  	_ =	shalt  }
0x63: {  	_ =	shalt  }
0x64: {  	_ =	shalt  }
0x65: {  	_ =	shalt  }
0x66: {  	_ =	shalt  }
0x67: {  	_ =	shalt  }
0x68: {  	_ =	shalt  }
0x69: {  	_ =	shalt  }
0x6a: {  	_ =	shalt  }
0x6b: {  	_ =	shalt  }
0x6c: {  	_ =	shalt  }
0x6d: {  	_ =	shalt  }
0x6e: {  	_ =	shalt  }
0x6f: {  	_ =	shalt  }
0x70: {  	_ =	shalt  }
0x71: {  	_ =	shalt  }
0x72: {  	_ =	shalt  }
0x73: {  	_ =	shalt  }
0x74: {  	_ =	shalt  }
0x75: {  	_ =	shalt  }
0x76: {  	_ =	shalt  }
0x77: {  	_ =	shalt  }
0x78: {  	_ =	shalt  }
0x79: {  	_ =	shalt  }
0x7a: {  	_ =	shalt  }
0x7b: {  	_ =	shalt  }
0x7c: {  	_ =	shalt  }
0x7d: {  	_ =	shalt  }
0x7e: {  	_ =	shalt  }
0x7f: {  	_ =	shalt  }
0x80: {  	_ =	shalt  }
0x81: {  	_ =	shalt  }
0x82: {  	_ =	shalt  }
0x83: {  	_ =	shalt  }
0x84: {  	_ =	shalt  }
0x85: {  	_ =	shalt  }
0x86: {  	_ =	shalt  }
0x87: {  	_ =	shalt  }
.Lfunc_end0:
.L_simem_size_0:
called_computation.1_lowered:
.L_overlay_start_0:
0x88: {  	s2 =	sld [smem:$0x3FD9]  }
0x89: {  	s3 =	sld [smem:$0x3FFE];
	_ =	sdelay $0x1  }
0x8a: {  	s1 =	srdreg.scid  }
0x8b: {  	s0 =	sand.u32 $0x1, s1  }
0x8c: {  	s16 =	sshll.u32 s0, $0xA;
	s2 =	sadd.s32 s3, s2  }
0x8d: {  	s2 =	sadd.s32 s2, s16  }
0x8e: {  	[smem:$0x3FBD] =	sst s2  }
0x8f: {  	_ = 	snop  }
0x90: {  	(tm) =	ssettm $0x1  }
0x91: {  	s17 =	sld [smem:$0x3FFB];
	_ =	sdelay $0x3  }
0x92: {  	_ =	strace s17  }
0x93: {  	s2 =	sld [smem:$0x3FFC];
	_ =	sdelay $0x3  }
0x94: {  	_ =	strace s2  }
0x95: {  	s2 =	sld [smem:$0x3FFD];
	_ =	sdelay $0x3  }
0x96: {  	_ =	strace s2  }
0x97: {  	_ =	strace $0x8FFFFFFF  }
0x98: {  	s18 =	sld [smem:$0x3FDB];
	_ =	sdelay $0x1  }
0x99: {  	s19 =	simm.s32 $_scs_section_size  }
0x9a: {  	s4 =	simm.s32 $_size__tile_overlayer_lowered;
	s5 =	simm.s32 $_tile_overlayer_lowered  }
0x9b: {  	s22 =	simm.s32 $0x1BFF;
	s21 =	sshll.u32 s5, $0x1;
	s2 =	sadd.s32 s19, s18  }
0x9c: {  	s6 =	simm.s32 $0x0;
	s20 =	sshll.u32 s4, $0x1;
	s4 =	sadd.s32 s21, s2  }
0x9d: {  	[timem:s6], [sflag:s22] =	dma.local [hbm:s4], s20  }
0x9e: {  	_ =	swait.ge [sflag:s22], s20  }
0x9f: {  	s3 =	ssub.s32 $0x0, s20;
	[sflag:s22] =	ssyncset.done $0x0  }
0xa0: {  	[sflag:s22] =	ssyncadd.s32 s3;
	_ =	sdelay $0x1  }
0xa1: {  	s23 =	simm.s32 $0x1B8B  }
0xa2: {  	_ =	swait.ge [sflag:s23], $0x1  }
0xa3: {  	[sflag:s23] =	ssyncset.done $0x0  }
0xa4: {  	s25 =	simm.s32 $0x1B8E;
	s24 =	sld [smem:$0x3FFE];
	[sflag:s23] =	ssyncadd.s32 $0xFFFFFFFF  }
0xa5: {  	s26 =	simm.s32 $execute0_lowered;
	[smem:$0x3FD2] =	sst s25  }
0xa6: {  	s4 =	sshll.u32 s26, $0x1;
	_ =	strace $0x80000046;
	[dreg:$0x1] =	wrdreg $0xFFFFFFFF  }
0xa7: {  	s28 =	simm.s32 $_size_execute0_lowered;
	s2 =	sadd.s32 s2, s4;
	[dreg:$0x0] =	wrdreg $0x0  }
0xa8: {  	s4 =	sshll.u32 s28, $0x1;
	[dreg:$0x2] =	wrdreg s2  }
0xa9: {  	[dreg:$0x3] =	wrdreg s4  }
0xaa: {  	[dreg:$0x4] =	wrdreg $0xC0  }
0xab: {  	_ =	task [dreg:s6], $0x5FFFF  }
0xac: {  	[dreg:$0x1] =	wrdreg $0xFFFFFFFF  }
0xad: {  	[dreg:$0x0] =	wrdreg $0x60  }
0xae: {  	[dreg:$0x2] =	wrdreg s24  }
0xaf: {  	[dreg:$0x3] =	wrdreg $0x13E000  }
0xb0: {  	[dreg:$0x4] =	wrdreg $0xA0000  }
0xb1: {  	[dreg:$0x5] =	wrdreg $0xA  }
0xb2: {  	_ =	task.clear_ibuf [dreg:s6], $0x6FFFF;
	_ =	strace $0x90000046  }
0xb3: {  	s29 =	simm.s32 $0xA;
	_ =	strace $0x80000048  }
0xb4: {  	_ =	swait.ge [sflag:s29], $0x1  }
0xb5: {  	[sflag:s29] =	ssyncadd.s32 $0xFFFFFFFF  }
0xb6: {  	_ =	strace $0x90000048  }
0xb7: {  	_ =	sfence  }
0xb8: {  	s30 =	sld [smem:$0x0];
	_ =	sdelay $0x2  }
0xb9: {  	s31 =	sshll.u32 s1, $0xD;
	s1 =	sshrl.u32 s1, $0x2  }
0xba: {  	s3 =	sand.u32 $0x4000, s31;
	s1 =	sadd.s32 s1, s30  }
0xbb: {  	s0 =	sor.u32 s3, s0;
	s1 =	sshll.u32 s1, $0x11  }
0xbc: {  	s0 =	sor.u32 s1, s0  }
0xbd: {  	s0 =	sadd.s32 $0x8F2B, s0  }
0xbe: {  	[sflag:s0] =	ssyncadd.remote.s32 $0x1  }
0xbf: {  	_ =	sfence.sel $0xFFFF  }
0xc0: {  	[dreg:$0x0] =	wrdreg $0xFFFFFFFF;
	(pc) =	sbr.abs _section_cstart, $3  }
0xc1: {  	[dreg:$0x1] =	wrdreg $0xFFFFFFFF  }
0xc2: {  	_ =	task.clear_ibuf [dreg:s6], $0x2FFFF;
	_ =	strace $0x9FFFFFFF  }
0xc3: {  	(tm) =	ssettm $0x7FFFFFFF  }
tec
execute0_lowered:
.L_overlay_start_1:
0x0: {  	(tag) =	ssettag $0x1  }
0x1: {  	s9 =	stileid.u32;
	s1 =	rddreg [dreg:$0x0]  }
0x2: {  	s0 =	srdreg.scid;
	s2 =	rddreg [dreg:$0x1];
	s20 =	simm.s32 $0x9000  }
0x3: {  	s21 =	simm.s32 $0x5;
	s28 =	simm.s32 $0x7000;
	s6 =	smul.u32 $0x9E00, s9  }
0x4: {  	s29 =	simm.s32 $0x1;
	s30 =	simm.s32 $0x2;
	s10 =	smul.u32 $0xA000, s9  }
0x5: {  	s0 =	sand.u32 $0x1, s0;
	s3 =	sshll.u32 s9, $0x1;
	s9 =	smul.u32 $0x28000, s9  }
0x6: {  	s31 =	simm.s32 $0x3;
	s4 =	sor.u32 s0, s3;
	s7 =	smul.u32 $0xA0000, s0  }
0x7: {  	s3 =	rddreg [dreg:$0x2];
	s0 =	ssub.s32 $0x2, s0;
	s5 =	smul.u32 $0x500, s4  }
0x8: {  	s4 =	simm.s32 $0x0;
	s8 =	sshrl.u32 s6, $0x3;
	s23 =	sshrl.u32 s0, $0x1  }
0x9: {  	s9 =	sshrl.u32 s9, $0x2;
	s6 =	sadd.s32 s6, s3;
	s26 =	sadd.s32 s10, s2  }
0xa: {  	[smem:$0x7FF] =	sst s4;
	s8 =	sadd.s32 s8, s1;
	s22 =	sadd.s32 s10, s7  }
0xb: {  	s0 =	ssub.s32 s0, s23;
	_ =	strace $0x80000047;
	s11 =	sadd.s32 s5, s1  }
0xc: {  	s5 =	sshrl.u32 s22, $0x3;
	s24 =	sadd.s32 $0x15C00, s8;
	s10 =	smax.u32 s0, $0x1  }
0xd: {  	s22 =	sshrl.u32 s6, $0x3;
	s1 =	sadd.s32 s5, s1;
	s5 =	sadd.s32 s9, s2  }
0xe: {  	[dreg:$0x4] =	wrdreg s24;
	s25 =	sadd.s32 $0xBC00, s11;
	s8 =	sadd.s32 $0x1C00, s11  }
0xf: {  	s24 =	simm.s32 $0x80;
	[dreg:$0x5] =	wrdreg s25;
	s9 =	sadd.s32 $0x29800, s1  }
0x10: {  	s11 =	sadd.s32 $0x1000, s5;
	s12 =	sadd.s32 $0x2000, s5;
	s13 =	sadd.s32 $0x3000, s5  }
0x11: {  	s14 =	sadd.s32 $0x4000, s5;
	s15 =	sadd.s32 $0x5000, s5;
	s16 =	sadd.s32 $0x6000, s5  }
0x12: {  	s17 =	sadd.s32 $0x7000, s5;
	s18 =	sadd.s32 $0x8000, s5;
	s19 =	sadd.s32 $0x9000, s5  }
0x13: {  	v0 =	vimm.f32 $0.0e+00;
	s25 =	sshrl.u32 s26, $0x3;
	s26 =	simm.s32 $0x5000;
	s1 =	simm.s32 $0x4  }
.LBB2_1:
0x14: {  	s23 =	simm.s32 $0x100;
	s0 =	simm.s32 $0x0  }
.LBB2_2:
0x15: {  	p0 =	sne.s32 s23, $0x3F00;
	[tilespmem:s0+$0x9030] =	vst v0;
	s6 =	smov.u32 s23;
	s23 =	sadd.s32 $0x100, s23  }
.Ltmp0:
0x16: {  	[tilespmem:s0+$0x9020] =	vst v0;
	(pc) =	sbr.rel @p0 .LBB2_2-.Ltmp0, $3  }
0x17: {  	[tilespmem:s0+$0x9000] =	vst v0  }
0x18: {  	[tilespmem:s0+$0x9010] =	vst v0;
	_ =	sdelay $0x1  }
0x19: {  	s0 =	sshra.s32 s6, $0x2  }
0x1a: {  	[tilespmem:s0+$0x9030] =	vst v0  }
0x1b: {  	[tilespmem:s0+$0x9020] =	vst v0  }
0x1c: {  	[tilespmem:s0+$0x9000] =	vst v0  }
0x1d: {  	[tilespmem:s0+$0x9010] =	vst v0  }
0x1e: {  	[spmem:s5] =	stream.linear.scatter [tilespmem:s20], [sflag:$0x5], $0x1000, $0x38;
	[tilespmem:$0x1DE00] =	vst v63  }
0x1f: {  	_ =	swait.ge [sflag:s21], $0x1000  }
0x20: {  	[sflag:s21] =	ssyncset.done $0x0  }
0x21: {  	[sflag:s21] =	ssyncadd.s32 $0xFFFFF000  }
0x22: {  	[spmem:s11] =	stream.linear.scatter [tilespmem:s20], [sflag:$0x5], $0x1000, $0x38;
	[tilespmem:$0x1DE00] =	vst v63  }
0x23: {  	_ =	swait.ge [sflag:s21], $0x1000  }
0x24: {  	[sflag:s21] =	ssyncset.done $0x0  }
0x25: {  	[sflag:s21] =	ssyncadd.s32 $0xFFFFF000  }
0x26: {  	[spmem:s12] =	stream.linear.scatter [tilespmem:s20], [sflag:$0x5], $0x1000, $0x38;
	[tilespmem:$0x1DE00] =	vst v63  }
0x27: {  	_ =	swait.ge [sflag:s21], $0x1000  }
0x28: {  	[sflag:s21] =	ssyncset.done $0x0  }
0x29: {  	[sflag:s21] =	ssyncadd.s32 $0xFFFFF000  }
0x2a: {  	[spmem:s13] =	stream.linear.scatter [tilespmem:s20], [sflag:$0x5], $0x1000, $0x38;
	[tilespmem:$0x1DE00] =	vst v63  }
0x2b: {  	_ =	swait.ge [sflag:s21], $0x1000  }
0x2c: {  	[sflag:s21] =	ssyncset.done $0x0  }
0x2d: {  	[sflag:s21] =	ssyncadd.s32 $0xFFFFF000  }
0x2e: {  	[spmem:s14] =	stream.linear.scatter [tilespmem:s20], [sflag:$0x5], $0x1000, $0x38;
	[tilespmem:$0x1DE00] =	vst v63  }
0x2f: {  	_ =	swait.ge [sflag:s21], $0x1000  }
0x30: {  	[sflag:s21] =	ssyncset.done $0x0  }
0x31: {  	[sflag:s21] =	ssyncadd.s32 $0xFFFFF000  }
0x32: {  	[spmem:s15] =	stream.linear.scatter [tilespmem:s20], [sflag:$0x5], $0x1000, $0x38;
	[tilespmem:$0x1DE00] =	vst v63  }
0x33: {  	_ =	swait.ge [sflag:s21], $0x1000  }
0x34: {  	[sflag:s21] =	ssyncset.done $0x0  }
0x35: {  	[sflag:s21] =	ssyncadd.s32 $0xFFFFF000  }
0x36: {  	[spmem:s16] =	stream.linear.scatter [tilespmem:s20], [sflag:$0x5], $0x1000, $0x38;
	[tilespmem:$0x1DE00] =	vst v63  }
0x37: {  	_ =	swait.ge [sflag:s21], $0x1000  }
0x38: {  	[sflag:s21] =	ssyncset.done $0x0  }
0x39: {  	[sflag:s21] =	ssyncadd.s32 $0xFFFFF000  }
0x3a: {  	[spmem:s17] =	stream.linear.scatter [tilespmem:s20], [sflag:$0x5], $0x1000, $0x38;
	[tilespmem:$0x1DE00] =	vst v63  }
0x3b: {  	_ =	swait.ge [sflag:s21], $0x1000  }
0x3c: {  	[sflag:s21] =	ssyncset.done $0x0  }
0x3d: {  	[sflag:s21] =	ssyncadd.s32 $0xFFFFF000  }
0x3e: {  	[spmem:s18] =	stream.linear.scatter [tilespmem:s20], [sflag:$0x5], $0x1000, $0x38;
	[tilespmem:$0x1DE00] =	vst v63  }
0x3f: {  	_ =	swait.ge [sflag:s21], $0x1000  }
0x40: {  	[sflag:s21] =	ssyncset.done $0x0  }
0x41: {  	[sflag:s21] =	ssyncadd.s32 $0xFFFFF000  }
0x42: {  	[spmem:s19] =	stream.linear.scatter [tilespmem:s20], [sflag:$0x5], $0x1000, $0x38;
	[tilespmem:$0x1DE00] =	vst v63  }
0x43: {  	s7 =	stileid.u32;
	_ =	swait.ge [sflag:s21], $0x1000  }
0x44: {  	s0 =	sshll.u32 s7, $0x6;
	[sflag:s21] =	ssyncset.done $0x0  }
0x45: {  	s0 =	sor.u32 $0x1C05, s0;
	s6 =	rddreg [dreg:$0x4];
	[sflag:s21] =	ssyncadd.s32 $0xFFFFF000  }
0x46: {  	[spmem:s22], [sflag:s0] =	dma.local [hbm:s6], $0x13C0  }
0x47: {  	_ =	swait.ge [sflag:s21], $0x13C0  }
0x48: {  	[sflag:s21] =	ssyncset.done $0x0  }
0x49: {  	[sflag:s21] =	ssyncadd.s32 $0xFFFFEC40  }
0x4a: {  	[bflag:$0x0] =	sbarrier.arrive $0xFFFF  }
0x4b: {  	s6 =	simm.s32 $0x0;
	s7 =	rddreg [dreg:$0x5]  }
0x4c: {  	[tilespmem:s6], [sflag:$0x5] =	stream.linear.gather [hbm4b:s7+s6], $0x2800, $0x38;
	[tilespmem:$0x1DE00] =	vst v63  }
0x4d: {  	_ =	swait.ge [sflag:s21], $0x2800  }
0x4e: {  	[sflag:s21] =	ssyncset.done $0x0  }
0x4f: {  	s23 =	simm.s32 $0x2800;
	[sflag:s21] =	ssyncadd.s32 $0xFFFFD800  }
0x50: {  	[tilespmem:s23], [sflag:$0x5] =	stream.linear.gather [hbm4b:s8+s6], $0x2800, $0x38;
	[tilespmem:$0x1DE00] =	vst v63  }
0x51: {  	_ =	swait.ge [sflag:s21], $0x2800  }
0x52: {  	[sflag:s21] =	ssyncset.done $0x0  }
0x53: {  	[sflag:s21] =	ssyncadd.s32 $0xFFFFD800  }
0x54: {  	[tilespmem:s26], [sflag:$0x1] =	stream.indirect.gather [spmem:s3], $0x40, s6, s24, $0xb8;
	[tilespmem:$0x1DE00] =	vst v63  }
0x55: {  	_ = 	snop  }
0x56: {  	[tilespmem:s28], [sflag:$0x2] =	stream.indirect.gather [spmem:s3], $0x40, s24, s24, $0xb8;
	[tilespmem:$0x1DE00] =	vst v63  }
0x57: {  	_ =	swait.ge [sflag:s29], $0x2000  }
0x58: {  	[sflag:s29] =	ssyncset.done $0x0  }
0x59: {  	s23 =	simm.s32 $0x2800;
	[sflag:s29] =	ssyncadd.s32 $0xFFFFE000  }
0x5a: {  	[spmem:s2] =	stream.indirect.scatter.add.f32 [tilespmem:s26], [sflag:$0x3], $0x40, s23, s24, $0xb8;
	[tilespmem:$0x1DE00] =	vst v63  }
0x5b: {  	_ =	swait.ge [sflag:s30], $0x2000  }
0x5c: {  	[sflag:s30] =	ssyncset.done $0x0  }
0x5d: {  	s7 =	simm.s32 $0x2880;
	[sflag:s30] =	ssyncadd.s32 $0xFFFFE000  }
0x5e: {  	[spmem:s2] =	stream.indirect.scatter.add.f32 [tilespmem:s28], [sflag:$0x4], $0x40, s7, s24, $0xb8;
	[tilespmem:$0x1DE00] =	vst v63  }
0x5f: {  	_ =	swait.ge [sflag:s31], $0x2000  }
0x60: {  	[sflag:s31] =	ssyncset.done $0x0  }
0x61: {  	s23 =	simm.s32 $0x100;
	[sflag:s31] =	ssyncadd.s32 $0xFFFFE000  }
0x62: {  	[tilespmem:s26], [sflag:$0x1] =	stream.indirect.gather [spmem:s3], $0x40, s23, s24, $0xb8;
	[tilespmem:$0x1DE00] =	vst v63  }
0x63: {  	_ =	swait.ge [sflag:s1], $0x2000  }
0x64: {  	[sflag:s1] =	ssyncset.done $0x0  }
0x65: {  	s6 =	simm.s32 $0x180;
	s23 =	simm.s32 $0x400;
	[sflag:s1] =	ssyncadd.s32 $0xFFFFE000  }
.LBB2_4:
0x66: {  	[tilespmem:s28], [sflag:$0x2] =	stream.indirect.gather [spmem:s3], $0x40, s6, s24, $0xb8;
	[tilespmem:$0x1DE00] =	vst v63  }
0x67: {  	s6 =	smov.u32 s23  }
0x68: {  	p0 =	sne.s32 s23, $0x9800;
	s23 =	sadd.s32 $0x400, s23;
	_ =	swait.ge [sflag:s29], $0x2000  }
0x69: {  	s6 =	sshra.s32 s6, $0x2;
	[sflag:s29] =	ssyncset.done $0x0  }
0x6a: {  	s7 =	sadd.s32 $0x2800, s6;
	[sflag:s29] =	ssyncadd.s32 $0xFFFFE000  }
0x6b: {  	[spmem:s2] =	stream.indirect.scatter.add.f32 [tilespmem:s26], [sflag:$0x3], $0x40, s7, s24, $0xb8;
	[tilespmem:$0x1DE00] =	vst v63  }
0x6c: {  	_ =	swait.ge [sflag:s30], $0x2000  }
0x6d: {  	[sflag:s30] =	ssyncset.done $0x0  }
0x6e: {  	s7 =	sadd.s32 $0x2880, s6;
	[sflag:s30] =	ssyncadd.s32 $0xFFFFE000  }
0x6f: {  	[spmem:s2] =	stream.indirect.scatter.add.f32 [tilespmem:s28], [sflag:$0x4], $0x40, s7, s24, $0xb8;
	[tilespmem:$0x1DE00] =	vst v63  }
0x70: {  	_ =	swait.ge [sflag:s31], $0x2000  }
0x71: {  	[sflag:s31] =	ssyncset.done $0x0  }
.Ltmp1:
0x72: {  	s7 =	sadd.s32 $0x100, s6;
	[sflag:s31] =	ssyncadd.s32 $0xFFFFE000;
	(pc) =	sbr.rel @p0 .LBB2_4-.Ltmp1, $4  }
0x73: {  	[tilespmem:s26], [sflag:$0x1] =	stream.indirect.gather [spmem:s3], $0x40, s7, s24, $0xb8;
	[tilespmem:$0x1DE00] =	vst v63  }
0x74: {  	_ =	swait.ge [sflag:s1], $0x2000  }
0x75: {  	[sflag:s1] =	ssyncset.done $0x0  }
0x76: {  	s6 =	sadd.s32 $0x180, s6;
	[sflag:s1] =	ssyncadd.s32 $0xFFFFE000  }
0x77: {  	[tilespmem:s28], [sflag:$0x2] =	stream.indirect.gather [spmem:s3], $0x40, s6, s24, $0xb8;
	[tilespmem:$0x1DE00] =	vst v63  }
0x78: {  	_ =	swait.ge [sflag:s29], $0x2000  }
0x79: {  	[sflag:s29] =	ssyncset.done $0x0  }
0x7a: {  	s7 =	simm.s32 $0x4F00;
	[sflag:s29] =	ssyncadd.s32 $0xFFFFE000  }
0x7b: {  	[spmem:s2] =	stream.indirect.scatter.add.f32 [tilespmem:s26], [sflag:$0x3], $0x40, s7, s24, $0xb8;
	[tilespmem:$0x1DE00] =	vst v63  }
0x7c: {  	_ =	swait.ge [sflag:s30], $0x2000  }
0x7d: {  	[sflag:s30] =	ssyncset.done $0x0  }
0x7e: {  	s23 =	simm.s32 $0x4F80;
	[sflag:s30] =	ssyncadd.s32 $0xFFFFE000  }
0x7f: {  	[spmem:s2] =	stream.indirect.scatter.add.f32 [tilespmem:s28], [sflag:$0x4], $0x40, s23, s24, $0xb8;
	[tilespmem:$0x1DE00] =	vst v63  }
0x80: {  	_ =	swait.ge [sflag:s31], $0x2000  }
0x81: {  	[sflag:s31] =	ssyncset.done $0x0  }
0x82: {  	[sflag:s31] =	ssyncadd.s32 $0xFFFFE000  }
0x83: {  	_ =	swait.ge [sflag:s1], $0x2000  }
0x84: {  	s4 =	sadd.s32 $0x1, s4;
	[sflag:s1] =	ssyncset.done $0x0  }
0x85: {  	p0 =	sne.s32 s4, s10;
	[sflag:s1] =	ssyncadd.s32 $0xFFFFE000  }
.Ltmp2:
0x86: {  	[bflag:$0x0] =	sbarrier.arrive $0xFFFF;
	(pc) =	sbr.rel @p0 .LBB2_1-.Ltmp2, $4  }
0x87: {  	[hbm:s9], [sflag:s0] =	dma.local [spmem:s25], $0x1400  }
0x88: {  	_ =	swait.ge [sflag:s21], $0x1400  }
0x89: {  	[sflag:s21] =	ssyncset.done $0x0  }
0x8a: {  	[sflag:s21] =	ssyncadd.s32 $0xFFFFEC00  }
0x8b: {  	_ =	sfence.sel $0x180000  }
0x8c: {  	[bflag:$0x0] =	sbarrier.arrive $0xFFFF  }
0x8d: {  	_ =	strace $0x90000047  }
0x8e: {  	s0 =	stileid.u32;
	[bflag:$0x2] =	sbarrier.arrive $0xFFFF  }
0x8f: {  	p0 =	sne.s32 s0, $0x0;
	s0 =	rddreg [dreg:$0x3]  }
0x90: {  	s0 =	sadd.s32 @!p0 $0x100000, s0  }
0x91: {  	[sflag:s0] =	ssyncadd.tile.s32 @!p0 $0x1;
	_ =	shalt  }
.Lfunc_end2:
_tile_overlayer_lowered:
.L_overlay_start_2:
0x92: {  	(tag) =	ssettag $0x2  }
0x93: {  	s0 =	rddreg [dreg:$0x0];
	s2 =	stileid.u32  }
0x94: {  	s1 =	rddreg [dreg:$0x1];
	p0 =	sne.s32 s2, $0x0  }
0x95: {  	s3 =	rddreg [dreg:$0x2];
	[bflag:$0x3] =	sbarrier.arrive $0xFFFF;
	s2 =	simm.s32 @!p0 $0x1C05  }
0x96: {  	[timem:s3], [sflag:s2] =	dma.local @!p0 [hbm:s0], s1  }
0x97: {  	s0 =	simm.s32 @!p0 $0x5  }
0x98: {  	_ =	swait.ge @!p0 [sflag:s0], s1  }
0x99: {  	s1 =	ssub.s32 @!p0 $0x0, s1;
	[sflag:s0] =	ssyncset.done @!p0 $0x0  }
0x9a: {  	[sflag:s0] =	ssyncadd.s32 @!p0 s1  }
0x9b: {  	[bflag:$0x3] =	sbarrier.arrive $0xFFFF  }
0x9c: {  	_ =	shalt  }

// kernel: kernel.14.cloned.1.call-start
scs
__scs_entry_jumppad:
0x0: {  	(pc) =	sbr.rel $0x88, $3  }
0x1: {  	(tag) =	ssettag $0x0;
	lr =	simm.s32 $0x1  }
0x2: {  	[smem:$0x3F96] =	sst lr;
	_ =	strace $0xD0000000  }
0x3: {  	_ = 	snop  }
0x4: {  	_ = 	snop  }
0x5: {  	_ = 	snop  }
0x6: {  	_ = 	snop  }
0x7: {  	_ = 	snop  }
__scs_overlays_trampoline_lowered:
0x8: {  	[smem:$0x3FA5] =	sst s0  }
0x9: {  	[smem:$0x3FA6] =	sst s1  }
0xa: {  	[smem:$0x3FA7] =	sst s2  }
0xb: {  	[smem:$0x3FA8] =	sst s3  }
0xc: {  	[smem:$0x3FA9] =	sst s4  }
0xd: {  	[smem:$0x3FAA] =	sst s5  }
0xe: {  	[smem:$0x3FAB] =	sst s6  }
0xf: {  	[smem:$0x3FAC] =	sst s7  }
0x10: {  	[smem:$0x3FAD] =	sst s8  }
0x11: {  	[smem:$0x3FAE] =	sst s9;
	s0 =	simm.s32 @!p0 $0x0  }
0x12: {  	s1 =	sld [smem:$0x3F94];
	s0 =	simm.s32 @p0 $0x1  }
0x13: {  	[smem:$0x3FAF] =	sst s0;
	s0 =	simm.s32 @!p1 $0x0  }
0x14: {  	s2 =	sld [smem:$0x3F93];
	s0 =	simm.s32 @p1 $0x1  }
0x15: {  	[smem:$0x3FB0] =	sst s0;
	s0 =	simm.s32 @!p2 $0x0  }
0x16: {  	s3 =	sld [smem:$0x3FDB];
	s0 =	simm.s32 @p2 $0x1  }
0x17: {  	s4 =	simm.s32 $0x1BF5;
	[smem:$0x3FB2] =	sst s0  }
0x18: {  	s0 =	sld [smem:$0x3F95];
	_ =	swait.ge [sflag:s4], $0x0  }
0x19: {  	s7 =	sld [smem:$0x3F96]  }
0x1a: {  	s8 =	sadd.s32 $0xFFFFE003, lr  }
0x1b: {  	s9 =	sadd.s32 $0xFFFFFEF7, lr;
	s5 =	simm.s32 $0xFFFFFFFF;
	p2 =	slt.u32 s8, $0xFFFFF086  }
0x1c: {  	p1 =	slt.u32 s9, $0xF7A;
	s5 =	simm.s32 @!p2 $0x0  }
0x1d: {  	s5 =	simm.s32 @p1 $0x1;
	p0 =	seq.s32 s7, s2  }
0x1e: {  	s7 =	smul.u32 @!p0 $0xF7A, s2;
	p2 =	seq.s32 @!p0 s5, $0x0  }
0x1f: {  	s9 =	smul.u32 $0xF7A, s1;
	s8 =	simm.s32 @!p0 $0x1BF5;
	p2 =	por !p2, p0  }
0x20: {  	[sflag:s8] =	ssyncset.s32 @!p0 $0xFFFFF086;
	s6 =	sadd.s32 @!p0 s3, s7;
	s7 =	simm.s32 @!p0 $0x108  }
0x21: {  	s3 =	sadd.s32 s3, s9;
	s6 =	sadd.s32 @!p0 $0x88, s6;
	s7 =	simm.s32 @p2 $0x1082  }
0x22: {  	[simem:s7], [sflag:s8] =	dma.local @!p0 [hbm:s6], $0xF7A  }
0x23: {  	s9 =	sor.u32 $0xD0000000, s2;
	s6 =	simm.s32 $0x108;
	_ =	swait.ge @!p0 [sflag:s8], $0x0  }
0x24: {  	s3 =	sadd.s32 $0x88, s3;
	s6 =	simm.s32 @!p1 $0x1082;
	[sflag:s4] =	ssyncset.s32 $0xFFFFF086  }
0x25: {  	[simem:s6], [sflag:s4] =	dma.local [hbm:s3], $0xF7A  }
0x26: {  	[smem:$0x3F96] =	sst s1;
	(tag) =	ssettag s2;
	_ =	strace s9  }
0x27: {  	s1 =	sld [smem:$0x3FA6]  }
0x28: {  	s2 =	sld [smem:$0x3FA7]  }
0x29: {  	s4 =	sld [smem:$0x3FA9]  }
0x2a: {  	p0 =	seq.s32 s5, $0x0;
	s5 =	sld [smem:$0x3FAA]  }
0x2b: {  	s6 =	sld [smem:$0x3FAB]  }
0x2c: {  	s7 =	sld [smem:$0x3FAC]  }
0x2d: {  	s3 =	simm.s32 $0x108;
	s8 =	sld [smem:$0x3FAD]  }
0x2e: {  	s3 =	simm.s32 @!p0 $0x1082;
	s9 =	sld [smem:$0x3FAE]  }
0x2f: {  	lr =	sadd.s32 s0, s3;
	s0 =	sld [smem:$0x3FA5]  }
0x30: {  	s3 =	sld [smem:$0x3FA8]  }
0x31: {  	[smem:$0x3FB1] =	sst s10  }
0x32: {  	s10 =	sld [smem:$0x3FAF];
	_ =	sdelay $0x3  }
0x33: {  	p0 =	seq.s32 s10, $0x1;
	s10 =	sld [smem:$0x3FB1];
	_ =	sdelay $0x3  }
0x34: {  	[smem:$0x3FB1] =	sst s10  }
0x35: {  	s10 =	sld [smem:$0x3FB0];
	_ =	sdelay $0x3  }
0x36: {  	p1 =	seq.s32 s10, $0x1;
	s10 =	sld [smem:$0x3FB1];
	_ =	sdelay $0x3  }
0x37: {  	[smem:$0x3FB1] =	sst s10  }
0x38: {  	s10 =	sld [smem:$0x3FB2]  }
0x39: {  	_ = 	snop;
	(pc) =	sbr.ind lr, $3  }
0x3a: {  	_ = 	snop  }
0x3b: {  	_ = 	snop  }
0x3c: {  	p2 =	seq.s32 s10, $0x1;
	s10 =	sld [smem:$0x3FB1]  }
0x3d: {  	_ =	shalt  }
0x3e: {  	_ =	shalt  }
0x3f: {  	_ =	shalt  }
0x40: {  	_ =	shalt  }
0x41: {  	_ =	shalt  }
0x42: {  	_ =	shalt  }
0x43: {  	_ =	shalt  }
0x44: {  	_ =	shalt  }
0x45: {  	_ =	shalt  }
0x46: {  	_ =	shalt  }
0x47: {  	_ =	shalt  }
0x48: {  	_ =	shalt  }
0x49: {  	_ =	shalt  }
0x4a: {  	_ =	shalt  }
0x4b: {  	_ =	shalt  }
0x4c: {  	_ =	shalt  }
0x4d: {  	_ =	shalt  }
0x4e: {  	_ =	shalt  }
0x4f: {  	_ =	shalt  }
0x50: {  	_ =	shalt  }
0x51: {  	_ =	shalt  }
0x52: {  	_ =	shalt  }
0x53: {  	_ =	shalt  }
0x54: {  	_ =	shalt  }
0x55: {  	_ =	shalt  }
0x56: {  	_ =	shalt  }
0x57: {  	_ =	shalt  }
0x58: {  	_ =	shalt  }
0x59: {  	_ =	shalt  }
0x5a: {  	_ =	shalt  }
0x5b: {  	_ =	shalt  }
0x5c: {  	_ =	shalt  }
0x5d: {  	_ =	shalt  }
0x5e: {  	_ =	shalt  }
0x5f: {  	_ =	shalt  }
0x60: {  	_ =	shalt  }
0x61: {  	_ =	shalt  }
0x62: {  	_ =	shalt  }
0x63: {  	_ =	shalt  }
0x64: {  	_ =	shalt  }
0x65: {  	_ =	shalt  }
0x66: {  	_ =	shalt  }
0x67: {  	_ =	shalt  }
0x68: {  	_ =	shalt  }
0x69: {  	_ =	shalt  }
0x6a: {  	_ =	shalt  }
0x6b: {  	_ =	shalt  }
0x6c: {  	_ =	shalt  }
0x6d: {  	_ =	shalt  }
0x6e: {  	_ =	shalt  }
0x6f: {  	_ =	shalt  }
0x70: {  	_ =	shalt  }
0x71: {  	_ =	shalt  }
0x72: {  	_ =	shalt  }
0x73: {  	_ =	shalt  }
0x74: {  	_ =	shalt  }
0x75: {  	_ =	shalt  }
0x76: {  	_ =	shalt  }
0x77: {  	_ =	shalt  }
0x78: {  	_ =	shalt  }
0x79: {  	_ =	shalt  }
0x7a: {  	_ =	shalt  }
0x7b: {  	_ =	shalt  }
0x7c: {  	_ =	shalt  }
0x7d: {  	_ =	shalt  }
0x7e: {  	_ =	shalt  }
0x7f: {  	_ =	shalt  }
0x80: {  	_ =	shalt  }
0x81: {  	_ =	shalt  }
0x82: {  	_ =	shalt  }
0x83: {  	_ =	shalt  }
0x84: {  	_ =	shalt  }
0x85: {  	_ =	shalt  }
0x86: {  	_ =	shalt  }
0x87: {  	_ =	shalt  }
.Lfunc_end0:
.L_simem_size_0:
called_computation.2_lowered:
.L_overlay_start_0:
0x88: {  	s2 =	sld [smem:$0x3FD9]  }
0x89: {  	s3 =	sld [smem:$0x3FFE];
	_ =	sdelay $0x1  }
0x8a: {  	s1 =	srdreg.scid  }
0x8b: {  	s0 =	sand.u32 $0x1, s1  }
0x8c: {  	s16 =	sshll.u32 s0, $0xA;
	s2 =	sadd.s32 s3, s2  }
0x8d: {  	s2 =	sadd.s32 s2, s16  }
0x8e: {  	[smem:$0x3FBD] =	sst s2  }
0x8f: {  	_ = 	snop  }
0x90: {  	(tm) =	ssettm $0x1  }
0x91: {  	s17 =	sld [smem:$0x3FFB];
	_ =	sdelay $0x3  }
0x92: {  	_ =	strace s17  }
0x93: {  	s2 =	sld [smem:$0x3FFC];
	_ =	sdelay $0x3  }
0x94: {  	_ =	strace s2  }
0x95: {  	s2 =	sld [smem:$0x3FFD];
	_ =	sdelay $0x3  }
0x96: {  	_ =	strace s2  }
0x97: {  	_ =	strace $0x8FFFFFFF  }
0x98: {  	s18 =	sld [smem:$0x3FDB];
	_ =	sdelay $0x1  }
0x99: {  	s19 =	simm.s32 $_scs_section_size  }
0x9a: {  	s4 =	simm.s32 $_size__tile_overlayer_lowered;
	s5 =	simm.s32 $_tile_overlayer_lowered  }
0x9b: {  	s22 =	simm.s32 $0x1BFF;
	s21 =	sshll.u32 s5, $0x1;
	s2 =	sadd.s32 s19, s18  }
0x9c: {  	s6 =	simm.s32 $0x0;
	s20 =	sshll.u32 s4, $0x1;
	s4 =	sadd.s32 s21, s2  }
0x9d: {  	[timem:s6], [sflag:s22] =	dma.local [hbm:s4], s20  }
0x9e: {  	_ =	swait.ge [sflag:s22], s20  }
0x9f: {  	s3 =	ssub.s32 $0x0, s20;
	[sflag:s22] =	ssyncset.done $0x0  }
0xa0: {  	[sflag:s22] =	ssyncadd.s32 s3;
	_ =	sdelay $0x1  }
0xa1: {  	s23 =	simm.s32 $0x1B8B  }
0xa2: {  	_ =	swait.ge [sflag:s23], $0x1  }
0xa3: {  	[sflag:s23] =	ssyncset.done $0x0  }
0xa4: {  	s25 =	simm.s32 $0x1B8E;
	s24 =	sld [smem:$0x3FFE];
	[sflag:s23] =	ssyncadd.s32 $0xFFFFFFFF  }
0xa5: {  	s26 =	simm.s32 $execute0_lowered;
	[smem:$0x3FD2] =	sst s25  }
0xa6: {  	s4 =	sshll.u32 s26, $0x1;
	_ =	strace $0x8000004C;
	[dreg:$0x1] =	wrdreg $0xFFFFFFFF  }
0xa7: {  	s28 =	simm.s32 $_size_execute0_lowered;
	s2 =	sadd.s32 s2, s4;
	[dreg:$0x0] =	wrdreg $0x0  }
0xa8: {  	s4 =	sshll.u32 s28, $0x1;
	[dreg:$0x2] =	wrdreg s2  }
0xa9: {  	[dreg:$0x3] =	wrdreg s4  }
0xaa: {  	[dreg:$0x4] =	wrdreg $0xC0  }
0xab: {  	_ =	task [dreg:s6], $0x5FFFF  }
0xac: {  	[dreg:$0x1] =	wrdreg $0xFFFFFFFF  }
0xad: {  	[dreg:$0x0] =	wrdreg $0x60  }
0xae: {  	[dreg:$0x2] =	wrdreg s24  }
0xaf: {  	[dreg:$0x3] =	wrdreg $0x13E000  }
0xb0: {  	[dreg:$0x4] =	wrdreg $0xA0000  }
0xb1: {  	[dreg:$0x5] =	wrdreg $0x9  }
0xb2: {  	_ =	task.clear_ibuf [dreg:s6], $0x6FFFF;
	_ =	strace $0x9000004C  }
0xb3: {  	s29 =	simm.s32 $0x9;
	_ =	strace $0x8000004E  }
0xb4: {  	_ =	swait.ge [sflag:s29], $0x1  }
0xb5: {  	[sflag:s29] =	ssyncadd.s32 $0xFFFFFFFF  }
0xb6: {  	_ =	strace $0x9000004E  }
0xb7: {  	_ =	sfence  }
0xb8: {  	s30 =	sld [smem:$0x0];
	_ =	sdelay $0x2  }
0xb9: {  	s31 =	sshll.u32 s1, $0xD;
	s1 =	sshrl.u32 s1, $0x2  }
0xba: {  	s3 =	sand.u32 $0x4000, s31;
	s1 =	sadd.s32 s1, s30  }
0xbb: {  	s0 =	sor.u32 s3, s0;
	s1 =	sshll.u32 s1, $0x11  }
0xbc: {  	s0 =	sor.u32 s1, s0  }
0xbd: {  	s0 =	sadd.s32 $0x8F2B, s0  }
0xbe: {  	[sflag:s0] =	ssyncadd.remote.s32 $0x1  }
0xbf: {  	_ =	sfence.sel $0xFFFF  }
0xc0: {  	[dreg:$0x0] =	wrdreg $0xFFFFFFFF;
	(pc) =	sbr.abs _section_cstart, $3  }
0xc1: {  	[dreg:$0x1] =	wrdreg $0xFFFFFFFF  }
0xc2: {  	_ =	task.clear_ibuf [dreg:s6], $0x2FFFF;
	_ =	strace $0x9FFFFFFF  }
0xc3: {  	(tm) =	ssettm $0x7FFFFFFF  }
tec
execute0_lowered:
.L_overlay_start_1:
0x0: {  	(tag) =	ssettag $0x1  }
0x1: {  	s9 =	stileid.u32;
	s1 =	rddreg [dreg:$0x0]  }
0x2: {  	s0 =	srdreg.scid;
	s2 =	rddreg [dreg:$0x1];
	s20 =	simm.s32 $0x9000  }
0x3: {  	s21 =	simm.s32 $0x5;
	s28 =	simm.s32 $0x7000;
	s6 =	smul.u32 $0x9E00, s9  }
0x4: {  	s29 =	simm.s32 $0x1;
	s30 =	simm.s32 $0x2;
	s10 =	smul.u32 $0xA000, s9  }
0x5: {  	s0 =	sand.u32 $0x1, s0;
	s3 =	sshll.u32 s9, $0x1;
	s9 =	smul.u32 $0x28000, s9  }
0x6: {  	s31 =	simm.s32 $0x3;
	s4 =	sor.u32 s0, s3;
	s7 =	smul.u32 $0xA0000, s0  }
0x7: {  	s3 =	rddreg [dreg:$0x2];
	s0 =	ssub.s32 $0x2, s0;
	s5 =	smul.u32 $0x500, s4  }
0x8: {  	s4 =	simm.s32 $0x0;
	s8 =	sshrl.u32 s6, $0x3;
	s23 =	sshrl.u32 s0, $0x1  }
0x9: {  	s9 =	sshrl.u32 s9, $0x2;
	s6 =	sadd.s32 s6, s3;
	s26 =	sadd.s32 s10, s2  }
0xa: {  	[smem:$0x7FF] =	sst s4;
	s8 =	sadd.s32 s8, s1;
	s22 =	sadd.s32 s10, s7  }
0xb: {  	s0 =	ssub.s32 s0, s23;
	_ =	strace $0x8000004D;
	s11 =	sadd.s32 s5, s1  }
0xc: {  	s5 =	sshrl.u32 s22, $0x3;
	s24 =	sadd.s32 $0x15C00, s8;
	s10 =	smax.u32 s0, $0x1  }
0xd: {  	s22 =	sshrl.u32 s6, $0x3;
	s1 =	sadd.s32 s5, s1;
	s5 =	sadd.s32 s9, s2  }
0xe: {  	[dreg:$0x4] =	wrdreg s24;
	s25 =	sadd.s32 $0xBC00, s11;
	s8 =	sadd.s32 $0x1C00, s11  }
0xf: {  	s24 =	simm.s32 $0x80;
	[dreg:$0x5] =	wrdreg s25;
	s9 =	sadd.s32 $0x29800, s1  }
0x10: {  	s11 =	sadd.s32 $0x1000, s5;
	s12 =	sadd.s32 $0x2000, s5;
	s13 =	sadd.s32 $0x3000, s5  }
0x11: {  	s14 =	sadd.s32 $0x4000, s5;
	s15 =	sadd.s32 $0x5000, s5;
	s16 =	sadd.s32 $0x6000, s5  }
0x12: {  	s17 =	sadd.s32 $0x7000, s5;
	s18 =	sadd.s32 $0x8000, s5;
	s19 =	sadd.s32 $0x9000, s5  }
0x13: {  	v0 =	vimm.f32 $0.0e+00;
	s25 =	sshrl.u32 s26, $0x3;
	s26 =	simm.s32 $0x5000;
	s1 =	simm.s32 $0x4  }
.LBB2_1:
0x14: {  	s23 =	simm.s32 $0x100;
	s0 =	simm.s32 $0x0  }
.LBB2_2:
0x15: {  	p0 =	sne.s32 s23, $0x3F00;
	[tilespmem:s0+$0x9030] =	vst v0;
	s6 =	smov.u32 s23;
	s23 =	sadd.s32 $0x100, s23  }
.Ltmp0:
0x16: {  	[tilespmem:s0+$0x9020] =	vst v0;
	(pc) =	sbr.rel @p0 .LBB2_2-.Ltmp0, $3  }
0x17: {  	[tilespmem:s0+$0x9000] =	vst v0  }
0x18: {  	[tilespmem:s0+$0x9010] =	vst v0;
	_ =	sdelay $0x1  }
0x19: {  	s0 =	sshra.s32 s6, $0x2  }
0x1a: {  	[tilespmem:s0+$0x9030] =	vst v0  }
0x1b: {  	[tilespmem:s0+$0x9020] =	vst v0  }
0x1c: {  	[tilespmem:s0+$0x9000] =	vst v0  }
0x1d: {  	[tilespmem:s0+$0x9010] =	vst v0  }
0x1e: {  	[spmem:s5] =	stream.linear.scatter [tilespmem:s20], [sflag:$0x5], $0x1000, $0x38;
	[tilespmem:$0x1DE00] =	vst v63  }
0x1f: {  	_ =	swait.ge [sflag:s21], $0x1000  }
0x20: {  	[sflag:s21] =	ssyncset.done $0x0  }
0x21: {  	[sflag:s21] =	ssyncadd.s32 $0xFFFFF000  }
0x22: {  	[spmem:s11] =	stream.linear.scatter [tilespmem:s20], [sflag:$0x5], $0x1000, $0x38;
	[tilespmem:$0x1DE00] =	vst v63  }
0x23: {  	_ =	swait.ge [sflag:s21], $0x1000  }
0x24: {  	[sflag:s21] =	ssyncset.done $0x0  }
0x25: {  	[sflag:s21] =	ssyncadd.s32 $0xFFFFF000  }
0x26: {  	[spmem:s12] =	stream.linear.scatter [tilespmem:s20], [sflag:$0x5], $0x1000, $0x38;
	[tilespmem:$0x1DE00] =	vst v63  }
0x27: {  	_ =	swait.ge [sflag:s21], $0x1000  }
0x28: {  	[sflag:s21] =	ssyncset.done $0x0  }
0x29: {  	[sflag:s21] =	ssyncadd.s32 $0xFFFFF000  }
0x2a: {  	[spmem:s13] =	stream.linear.scatter [tilespmem:s20], [sflag:$0x5], $0x1000, $0x38;
	[tilespmem:$0x1DE00] =	vst v63  }
0x2b: {  	_ =	swait.ge [sflag:s21], $0x1000  }
0x2c: {  	[sflag:s21] =	ssyncset.done $0x0  }
0x2d: {  	[sflag:s21] =	ssyncadd.s32 $0xFFFFF000  }
0x2e: {  	[spmem:s14] =	stream.linear.scatter [tilespmem:s20], [sflag:$0x5], $0x1000, $0x38;
	[tilespmem:$0x1DE00] =	vst v63  }
0x2f: {  	_ =	swait.ge [sflag:s21], $0x1000  }
0x30: {  	[sflag:s21] =	ssyncset.done $0x0  }
0x31: {  	[sflag:s21] =	ssyncadd.s32 $0xFFFFF000  }
0x32: {  	[spmem:s15] =	stream.linear.scatter [tilespmem:s20], [sflag:$0x5], $0x1000, $0x38;
	[tilespmem:$0x1DE00] =	vst v63  }
0x33: {  	_ =	swait.ge [sflag:s21], $0x1000  }
0x34: {  	[sflag:s21] =	ssyncset.done $0x0  }
0x35: {  	[sflag:s21] =	ssyncadd.s32 $0xFFFFF000  }
0x36: {  	[spmem:s16] =	stream.linear.scatter [tilespmem:s20], [sflag:$0x5], $0x1000, $0x38;
	[tilespmem:$0x1DE00] =	vst v63  }
0x37: {  	_ =	swait.ge [sflag:s21], $0x1000  }
0x38: {  	[sflag:s21] =	ssyncset.done $0x0  }
0x39: {  	[sflag:s21] =	ssyncadd.s32 $0xFFFFF000  }
0x3a: {  	[spmem:s17] =	stream.linear.scatter [tilespmem:s20], [sflag:$0x5], $0x1000, $0x38;
	[tilespmem:$0x1DE00] =	vst v63  }
0x3b: {  	_ =	swait.ge [sflag:s21], $0x1000  }
0x3c: {  	[sflag:s21] =	ssyncset.done $0x0  }
0x3d: {  	[sflag:s21] =	ssyncadd.s32 $0xFFFFF000  }
0x3e: {  	[spmem:s18] =	stream.linear.scatter [tilespmem:s20], [sflag:$0x5], $0x1000, $0x38;
	[tilespmem:$0x1DE00] =	vst v63  }
0x3f: {  	_ =	swait.ge [sflag:s21], $0x1000  }
0x40: {  	[sflag:s21] =	ssyncset.done $0x0  }
0x41: {  	[sflag:s21] =	ssyncadd.s32 $0xFFFFF000  }
0x42: {  	[spmem:s19] =	stream.linear.scatter [tilespmem:s20], [sflag:$0x5], $0x1000, $0x38;
	[tilespmem:$0x1DE00] =	vst v63  }
0x43: {  	s7 =	stileid.u32;
	_ =	swait.ge [sflag:s21], $0x1000  }
0x44: {  	s0 =	sshll.u32 s7, $0x6;
	[sflag:s21] =	ssyncset.done $0x0  }
0x45: {  	s0 =	sor.u32 $0x1C05, s0;
	s6 =	rddreg [dreg:$0x4];
	[sflag:s21] =	ssyncadd.s32 $0xFFFFF000  }
0x46: {  	[spmem:s22], [sflag:s0] =	dma.local [hbm:s6], $0x13C0  }
0x47: {  	_ =	swait.ge [sflag:s21], $0x13C0  }
0x48: {  	[sflag:s21] =	ssyncset.done $0x0  }
0x49: {  	[sflag:s21] =	ssyncadd.s32 $0xFFFFEC40  }
0x4a: {  	[bflag:$0x0] =	sbarrier.arrive $0xFFFF  }
0x4b: {  	s6 =	simm.s32 $0x0;
	s7 =	rddreg [dreg:$0x5]  }
0x4c: {  	[tilespmem:s6], [sflag:$0x5] =	stream.linear.gather [hbm4b:s7+s6], $0x2800, $0x38;
	[tilespmem:$0x1DE00] =	vst v63  }
0x4d: {  	_ =	swait.ge [sflag:s21], $0x2800  }
0x4e: {  	[sflag:s21] =	ssyncset.done $0x0  }
0x4f: {  	s23 =	simm.s32 $0x2800;
	[sflag:s21] =	ssyncadd.s32 $0xFFFFD800  }
0x50: {  	[tilespmem:s23], [sflag:$0x5] =	stream.linear.gather [hbm4b:s8+s6], $0x2800, $0x38;
	[tilespmem:$0x1DE00] =	vst v63  }
0x51: {  	_ =	swait.ge [sflag:s21], $0x2800  }
0x52: {  	[sflag:s21] =	ssyncset.done $0x0  }
0x53: {  	[sflag:s21] =	ssyncadd.s32 $0xFFFFD800  }
0x54: {  	[tilespmem:s26], [sflag:$0x1] =	stream.indirect.gather [spmem:s3], $0x40, s6, s24, $0xb8;
	[tilespmem:$0x1DE00] =	vst v63  }
0x55: {  	_ = 	snop  }
0x56: {  	[tilespmem:s28], [sflag:$0x2] =	stream.indirect.gather [spmem:s3], $0x40, s24, s24, $0xb8;
	[tilespmem:$0x1DE00] =	vst v63  }
0x57: {  	_ =	swait.ge [sflag:s29], $0x2000  }
0x58: {  	[sflag:s29] =	ssyncset.done $0x0  }
0x59: {  	s23 =	simm.s32 $0x2800;
	[sflag:s29] =	ssyncadd.s32 $0xFFFFE000  }
0x5a: {  	[spmem:s2] =	stream.indirect.scatter.add.f32 [tilespmem:s26], [sflag:$0x3], $0x40, s23, s24, $0xb8;
	[tilespmem:$0x1DE00] =	vst v63  }
0x5b: {  	_ =	swait.ge [sflag:s30], $0x2000  }
0x5c: {  	[sflag:s30] =	ssyncset.done $0x0  }
0x5d: {  	s7 =	simm.s32 $0x2880;
	[sflag:s30] =	ssyncadd.s32 $0xFFFFE000  }
0x5e: {  	[spmem:s2] =	stream.indirect.scatter.add.f32 [tilespmem:s28], [sflag:$0x4], $0x40, s7, s24, $0xb8;
	[tilespmem:$0x1DE00] =	vst v63  }
0x5f: {  	_ =	swait.ge [sflag:s31], $0x2000  }
0x60: {  	[sflag:s31] =	ssyncset.done $0x0  }
0x61: {  	s23 =	simm.s32 $0x100;
	[sflag:s31] =	ssyncadd.s32 $0xFFFFE000  }
0x62: {  	[tilespmem:s26], [sflag:$0x1] =	stream.indirect.gather [spmem:s3], $0x40, s23, s24, $0xb8;
	[tilespmem:$0x1DE00] =	vst v63  }
0x63: {  	_ =	swait.ge [sflag:s1], $0x2000  }
0x64: {  	[sflag:s1] =	ssyncset.done $0x0  }
0x65: {  	s6 =	simm.s32 $0x180;
	s23 =	simm.s32 $0x400;
	[sflag:s1] =	ssyncadd.s32 $0xFFFFE000  }
.LBB2_4:
0x66: {  	[tilespmem:s28], [sflag:$0x2] =	stream.indirect.gather [spmem:s3], $0x40, s6, s24, $0xb8;
	[tilespmem:$0x1DE00] =	vst v63  }
0x67: {  	s6 =	smov.u32 s23  }
0x68: {  	p0 =	sne.s32 s23, $0x9800;
	s23 =	sadd.s32 $0x400, s23;
	_ =	swait.ge [sflag:s29], $0x2000  }
0x69: {  	s6 =	sshra.s32 s6, $0x2;
	[sflag:s29] =	ssyncset.done $0x0  }
0x6a: {  	s7 =	sadd.s32 $0x2800, s6;
	[sflag:s29] =	ssyncadd.s32 $0xFFFFE000  }
0x6b: {  	[spmem:s2] =	stream.indirect.scatter.add.f32 [tilespmem:s26], [sflag:$0x3], $0x40, s7, s24, $0xb8;
	[tilespmem:$0x1DE00] =	vst v63  }
0x6c: {  	_ =	swait.ge [sflag:s30], $0x2000  }
0x6d: {  	[sflag:s30] =	ssyncset.done $0x0  }
0x6e: {  	s7 =	sadd.s32 $0x2880, s6;
	[sflag:s30] =	ssyncadd.s32 $0xFFFFE000  }
0x6f: {  	[spmem:s2] =	stream.indirect.scatter.add.f32 [tilespmem:s28], [sflag:$0x4], $0x40, s7, s24, $0xb8;
	[tilespmem:$0x1DE00] =	vst v63  }
0x70: {  	_ =	swait.ge [sflag:s31], $0x2000  }
0x71: {  	[sflag:s31] =	ssyncset.done $0x0  }
.Ltmp1:
0x72: {  	s7 =	sadd.s32 $0x100, s6;
	[sflag:s31] =	ssyncadd.s32 $0xFFFFE000;
	(pc) =	sbr.rel @p0 .LBB2_4-.Ltmp1, $4  }
0x73: {  	[tilespmem:s26], [sflag:$0x1] =	stream.indirect.gather [spmem:s3], $0x40, s7, s24, $0xb8;
	[tilespmem:$0x1DE00] =	vst v63  }
0x74: {  	_ =	swait.ge [sflag:s1], $0x2000  }
0x75: {  	[sflag:s1] =	ssyncset.done $0x0  }
0x76: {  	s6 =	sadd.s32 $0x180, s6;
	[sflag:s1] =	ssyncadd.s32 $0xFFFFE000  }
0x77: {  	[tilespmem:s28], [sflag:$0x2] =	stream.indirect.gather [spmem:s3], $0x40, s6, s24, $0xb8;
	[tilespmem:$0x1DE00] =	vst v63  }
0x78: {  	_ =	swait.ge [sflag:s29], $0x2000  }
0x79: {  	[sflag:s29] =	ssyncset.done $0x0  }
0x7a: {  	s7 =	simm.s32 $0x4F00;
	[sflag:s29] =	ssyncadd.s32 $0xFFFFE000  }
0x7b: {  	[spmem:s2] =	stream.indirect.scatter.add.f32 [tilespmem:s26], [sflag:$0x3], $0x40, s7, s24, $0xb8;
	[tilespmem:$0x1DE00] =	vst v63  }
0x7c: {  	_ =	swait.ge [sflag:s30], $0x2000  }
0x7d: {  	[sflag:s30] =	ssyncset.done $0x0  }
0x7e: {  	s23 =	simm.s32 $0x4F80;
	[sflag:s30] =	ssyncadd.s32 $0xFFFFE000  }
0x7f: {  	[spmem:s2] =	stream.indirect.scatter.add.f32 [tilespmem:s28], [sflag:$0x4], $0x40, s23, s24, $0xb8;
	[tilespmem:$0x1DE00] =	vst v63  }
0x80: {  	_ =	swait.ge [sflag:s31], $0x2000  }
0x81: {  	[sflag:s31] =	ssyncset.done $0x0  }
0x82: {  	[sflag:s31] =	ssyncadd.s32 $0xFFFFE000  }
0x83: {  	_ =	swait.ge [sflag:s1], $0x2000  }
0x84: {  	s4 =	sadd.s32 $0x1, s4;
	[sflag:s1] =	ssyncset.done $0x0  }
0x85: {  	p0 =	sne.s32 s4, s10;
	[sflag:s1] =	ssyncadd.s32 $0xFFFFE000  }
.Ltmp2:
0x86: {  	[bflag:$0x0] =	sbarrier.arrive $0xFFFF;
	(pc) =	sbr.rel @p0 .LBB2_1-.Ltmp2, $4  }
0x87: {  	[hbm:s9], [sflag:s0] =	dma.local [spmem:s25], $0x1400  }
0x88: {  	_ =	swait.ge [sflag:s21], $0x1400  }
0x89: {  	[sflag:s21] =	ssyncset.done $0x0  }
0x8a: {  	[sflag:s21] =	ssyncadd.s32 $0xFFFFEC00  }
0x8b: {  	_ =	sfence.sel $0x180000  }
0x8c: {  	[bflag:$0x0] =	sbarrier.arrive $0xFFFF  }
0x8d: {  	_ =	strace $0x9000004D  }
0x8e: {  	s0 =	stileid.u32;
	[bflag:$0x2] =	sbarrier.arrive $0xFFFF  }
0x8f: {  	p0 =	sne.s32 s0, $0x0;
	s0 =	rddreg [dreg:$0x3]  }
0x90: {  	s0 =	sadd.s32 @!p0 $0x100000, s0  }
0x91: {  	[sflag:s0] =	ssyncadd.tile.s32 @!p0 $0x1;
	_ =	shalt  }
.Lfunc_end2:
_tile_overlayer_lowered:
.L_overlay_start_2:
0x92: {  	(tag) =	ssettag $0x2  }
0x93: {  	s0 =	rddreg [dreg:$0x0];
	s2 =	stileid.u32  }
0x94: {  	s1 =	rddreg [dreg:$0x1];
	p0 =	sne.s32 s2, $0x0  }
0x95: {  	s3 =	rddreg [dreg:$0x2];
	[bflag:$0x3] =	sbarrier.arrive $0xFFFF;
	s2 =	simm.s32 @!p0 $0x1C05  }
0x96: {  	[timem:s3], [sflag:s2] =	dma.local @!p0 [hbm:s0], s1  }
0x97: {  	s0 =	simm.s32 @!p0 $0x5  }
0x98: {  	_ =	swait.ge @!p0 [sflag:s0], s1  }
0x99: {  	s1 =	ssub.s32 @!p0 $0x0, s1;
	[sflag:s0] =	ssyncset.done @!p0 $0x0  }
0x9a: {  	[sflag:s0] =	ssyncadd.s32 @!p0 s1  }
0x9b: {  	[bflag:$0x3] =	sbarrier.arrive $0xFFFF  }
0x9c: {  	_ =	shalt  }

// kernel: kernel.8.cloned.1.call-start
scs
__scs_entry_jumppad:
0x0: {  	(pc) =	sbr.rel $0x88, $3  }
0x1: {  	(tag) =	ssettag $0x0;
	lr =	simm.s32 $0x1  }
0x2: {  	[smem:$0x3F96] =	sst lr;
	_ =	strace $0xD0000000  }
0x3: {  	_ = 	snop  }
0x4: {  	_ = 	snop  }
0x5: {  	_ = 	snop  }
0x6: {  	_ = 	snop  }
0x7: {  	_ = 	snop  }
__scs_overlays_trampoline_lowered:
0x8: {  	[smem:$0x3FA5] =	sst s0  }
0x9: {  	[smem:$0x3FA6] =	sst s1  }
0xa: {  	[smem:$0x3FA7] =	sst s2  }
0xb: {  	[smem:$0x3FA8] =	sst s3  }
0xc: {  	[smem:$0x3FA9] =	sst s4  }
0xd: {  	[smem:$0x3FAA] =	sst s5  }
0xe: {  	[smem:$0x3FAB] =	sst s6  }
0xf: {  	[smem:$0x3FAC] =	sst s7  }
0x10: {  	[smem:$0x3FAD] =	sst s8  }
0x11: {  	[smem:$0x3FAE] =	sst s9;
	s0 =	simm.s32 @!p0 $0x0  }
0x12: {  	s1 =	sld [smem:$0x3F94];
	s0 =	simm.s32 @p0 $0x1  }
0x13: {  	[smem:$0x3FAF] =	sst s0;
	s0 =	simm.s32 @!p1 $0x0  }
0x14: {  	s2 =	sld [smem:$0x3F93];
	s0 =	simm.s32 @p1 $0x1  }
0x15: {  	[smem:$0x3FB0] =	sst s0;
	s0 =	simm.s32 @!p2 $0x0  }
0x16: {  	s3 =	sld [smem:$0x3FDB];
	s0 =	simm.s32 @p2 $0x1  }
0x17: {  	s4 =	simm.s32 $0x1BF5;
	[smem:$0x3FB2] =	sst s0  }
0x18: {  	s0 =	sld [smem:$0x3F95];
	_ =	swait.ge [sflag:s4], $0x0  }
0x19: {  	s7 =	sld [smem:$0x3F96]  }
0x1a: {  	s8 =	sadd.s32 $0xFFFFE003, lr  }
0x1b: {  	s9 =	sadd.s32 $0xFFFFFEF7, lr;
	s5 =	simm.s32 $0xFFFFFFFF;
	p2 =	slt.u32 s8, $0xFFFFF086  }
0x1c: {  	p1 =	slt.u32 s9, $0xF7A;
	s5 =	simm.s32 @!p2 $0x0  }
0x1d: {  	s5 =	simm.s32 @p1 $0x1;
	p0 =	seq.s32 s7, s2  }
0x1e: {  	s7 =	smul.u32 @!p0 $0xF7A, s2;
	p2 =	seq.s32 @!p0 s5, $0x0  }
0x1f: {  	s9 =	smul.u32 $0xF7A, s1;
	s8 =	simm.s32 @!p0 $0x1BF5;
	p2 =	por !p2, p0  }
0x20: {  	[sflag:s8] =	ssyncset.s32 @!p0 $0xFFFFF086;
	s6 =	sadd.s32 @!p0 s3, s7;
	s7 =	simm.s32 @!p0 $0x108  }
0x21: {  	s3 =	sadd.s32 s3, s9;
	s6 =	sadd.s32 @!p0 $0x88, s6;
	s7 =	simm.s32 @p2 $0x1082  }
0x22: {  	[simem:s7], [sflag:s8] =	dma.local @!p0 [hbm:s6], $0xF7A  }
0x23: {  	s9 =	sor.u32 $0xD0000000, s2;
	s6 =	simm.s32 $0x108;
	_ =	swait.ge @!p0 [sflag:s8], $0x0  }
0x24: {  	s3 =	sadd.s32 $0x88, s3;
	s6 =	simm.s32 @!p1 $0x1082;
	[sflag:s4] =	ssyncset.s32 $0xFFFFF086  }
0x25: {  	[simem:s6], [sflag:s4] =	dma.local [hbm:s3], $0xF7A  }
0x26: {  	[smem:$0x3F96] =	sst s1;
	(tag) =	ssettag s2;
	_ =	strace s9  }
0x27: {  	s1 =	sld [smem:$0x3FA6]  }
0x28: {  	s2 =	sld [smem:$0x3FA7]  }
0x29: {  	s4 =	sld [smem:$0x3FA9]  }
0x2a: {  	p0 =	seq.s32 s5, $0x0;
	s5 =	sld [smem:$0x3FAA]  }
0x2b: {  	s6 =	sld [smem:$0x3FAB]  }
0x2c: {  	s7 =	sld [smem:$0x3FAC]  }
0x2d: {  	s3 =	simm.s32 $0x108;
	s8 =	sld [smem:$0x3FAD]  }
0x2e: {  	s3 =	simm.s32 @!p0 $0x1082;
	s9 =	sld [smem:$0x3FAE]  }
0x2f: {  	lr =	sadd.s32 s0, s3;
	s0 =	sld [smem:$0x3FA5]  }
0x30: {  	s3 =	sld [smem:$0x3FA8]  }
0x31: {  	[smem:$0x3FB1] =	sst s10  }
0x32: {  	s10 =	sld [smem:$0x3FAF];
	_ =	sdelay $0x3  }
0x33: {  	p0 =	seq.s32 s10, $0x1;
	s10 =	sld [smem:$0x3FB1];
	_ =	sdelay $0x3  }
0x34: {  	[smem:$0x3FB1] =	sst s10  }
0x35: {  	s10 =	sld [smem:$0x3FB0];
	_ =	sdelay $0x3  }
0x36: {  	p1 =	seq.s32 s10, $0x1;
	s10 =	sld [smem:$0x3FB1];
	_ =	sdelay $0x3  }
0x37: {  	[smem:$0x3FB1] =	sst s10  }
0x38: {  	s10 =	sld [smem:$0x3FB2]  }
0x39: {  	_ = 	snop;
	(pc) =	sbr.ind lr, $3  }
0x3a: {  	_ = 	snop  }
0x3b: {  	_ = 	snop  }
0x3c: {  	p2 =	seq.s32 s10, $0x1;
	s10 =	sld [smem:$0x3FB1]  }
0x3d: {  	_ =	shalt  }
0x3e: {  	_ =	shalt  }
0x3f: {  	_ =	shalt  }
0x40: {  	_ =	shalt  }
0x41: {  	_ =	shalt  }
0x42: {  	_ =	shalt  }
0x43: {  	_ =	shalt  }
0x44: {  	_ =	shalt  }
0x45: {  	_ =	shalt  }
0x46: {  	_ =	shalt  }
0x47: {  	_ =	shalt  }
0x48: {  	_ =	shalt  }
0x49: {  	_ =	shalt  }
0x4a: {  	_ =	shalt  }
0x4b: {  	_ =	shalt  }
0x4c: {  	_ =	shalt  }
0x4d: {  	_ =	shalt  }
0x4e: {  	_ =	shalt  }
0x4f: {  	_ =	shalt  }
0x50: {  	_ =	shalt  }
0x51: {  	_ =	shalt  }
0x52: {  	_ =	shalt  }
0x53: {  	_ =	shalt  }
0x54: {  	_ =	shalt  }
0x55: {  	_ =	shalt  }
0x56: {  	_ =	shalt  }
0x57: {  	_ =	shalt  }
0x58: {  	_ =	shalt  }
0x59: {  	_ =	shalt  }
0x5a: {  	_ =	shalt  }
0x5b: {  	_ =	shalt  }
0x5c: {  	_ =	shalt  }
0x5d: {  	_ =	shalt  }
0x5e: {  	_ =	shalt  }
0x5f: {  	_ =	shalt  }
0x60: {  	_ =	shalt  }
0x61: {  	_ =	shalt  }
0x62: {  	_ =	shalt  }
0x63: {  	_ =	shalt  }
0x64: {  	_ =	shalt  }
0x65: {  	_ =	shalt  }
0x66: {  	_ =	shalt  }
0x67: {  	_ =	shalt  }
0x68: {  	_ =	shalt  }
0x69: {  	_ =	shalt  }
0x6a: {  	_ =	shalt  }
0x6b: {  	_ =	shalt  }
0x6c: {  	_ =	shalt  }
0x6d: {  	_ =	shalt  }
0x6e: {  	_ =	shalt  }
0x6f: {  	_ =	shalt  }
0x70: {  	_ =	shalt  }
0x71: {  	_ =	shalt  }
0x72: {  	_ =	shalt  }
0x73: {  	_ =	shalt  }
0x74: {  	_ =	shalt  }
0x75: {  	_ =	shalt  }
0x76: {  	_ =	shalt  }
0x77: {  	_ =	shalt  }
0x78: {  	_ =	shalt  }
0x79: {  	_ =	shalt  }
0x7a: {  	_ =	shalt  }
0x7b: {  	_ =	shalt  }
0x7c: {  	_ =	shalt  }
0x7d: {  	_ =	shalt  }
0x7e: {  	_ =	shalt  }
0x7f: {  	_ =	shalt  }
0x80: {  	_ =	shalt  }
0x81: {  	_ =	shalt  }
0x82: {  	_ =	shalt  }
0x83: {  	_ =	shalt  }
0x84: {  	_ =	shalt  }
0x85: {  	_ =	shalt  }
0x86: {  	_ =	shalt  }
0x87: {  	_ =	shalt  }
.Lfunc_end0:
.L_simem_size_0:
called_computation_lowered:
.L_overlay_start_0:
0x88: {  	s2 =	sld [smem:$0x3FD9]  }
0x89: {  	s3 =	sld [smem:$0x3FFE];
	_ =	sdelay $0x1  }
0x8a: {  	s1 =	srdreg.scid  }
0x8b: {  	s0 =	sand.u32 $0x1, s1  }
0x8c: {  	s17 =	sshll.u32 s0, $0xA;
	s2 =	sadd.s32 s3, s2  }
0x8d: {  	s2 =	sadd.s32 s2, s17  }
0x8e: {  	[smem:$0x3FBD] =	sst s2  }
0x8f: {  	_ = 	snop  }
0x90: {  	(tm) =	ssettm $0x1  }
0x91: {  	s18 =	sld [smem:$0x3FFB];
	_ =	sdelay $0x3  }
0x92: {  	_ =	strace s18  }
0x93: {  	s2 =	sld [smem:$0x3FFC];
	_ =	sdelay $0x3  }
0x94: {  	_ =	strace s2  }
0x95: {  	s2 =	sld [smem:$0x3FFD];
	_ =	sdelay $0x3  }
0x96: {  	_ =	strace s2  }
0x97: {  	_ =	strace $0x8FFFFFFF  }
0x98: {  	s19 =	sld [smem:$0x3FDB];
	_ =	sdelay $0x1  }
0x99: {  	s20 =	simm.s32 $_scs_section_size  }
0x9a: {  	s4 =	simm.s32 $_size__tile_overlayer_lowered;
	s5 =	simm.s32 $_tile_overlayer_lowered  }
0x9b: {  	s6 =	simm.s32 $0x1BFF;
	s21 =	sshll.u32 s5, $0x1;
	s3 =	sadd.s32 s20, s19  }
0x9c: {  	s22 =	simm.s32 $0x0;
	s4 =	sshll.u32 s4, $0x1;
	s5 =	sadd.s32 s21, s3  }
0x9d: {  	[timem:s22], [sflag:s6] =	dma.local [hbm:s5], s4  }
0x9e: {  	_ =	swait.ge [sflag:s6], s4  }
0x9f: {  	s4 =	ssub.s32 $0x0, s4;
	[sflag:s6] =	ssyncset.done $0x0  }
0xa0: {  	[sflag:s6] =	ssyncadd.s32 s4;
	_ =	sdelay $0x1  }
0xa1: {  	s23 =	simm.s32 $0x1B8B  }
0xa2: {  	_ =	swait.ge [sflag:s23], $0x1  }
0xa3: {  	[sflag:s23] =	ssyncset.done $0x0  }
0xa4: {  	[sflag:s23] =	ssyncadd.s32 $0xFFFFFFFF  }
0xa5: {  	s4 =	sld [smem:$0x0]  }
0xa6: {  	s5 =	sand.u32 $0xFFFFFFFE, s1  }
0xa7: {  	p0 =	sne.s32 s1, s5  }
0xa8: {  	s5 =	sshll.u32 @p0 s5, $0xE  }
0xa9: {  	s5 =	sadd.s32 @p0 $0x11B8D, s5;
	s6 =	sshll.u32 @p0 s4, $0x11  }
0xaa: {  	s5 =	sor.u32 @p0 s6, s5  }
0xab: {  	[sflag:s5] =	ssyncadd.remote.s32 @p0 $0x1;
	_ =	sdelay $0x1  }
0xac: {  	s5 =	simm.s32 @p0 $0x1B8D  }
0xad: {  	_ =	swait.eq @p0 [sflag:s5], $0x1  }
0xae: {  	[sflag:s5] =	ssyncadd.s32 @p0 $0xFFFFFFFF  }
0xaf: {  	s6 =	sshll.u32 @!p0 s1, $0xE  }
0xb0: {  	s6 =	sor.u32 @!p0 $0x4000, s6;
	s5 =	simm.s32 @!p0 $0x1B8D  }
0xb1: {  	s4 =	sshll.u32 @!p0 s4, $0x11;
	s6 =	sadd.s32 @!p0 $0x11B8D, s6;
	_ =	swait.eq @!p0 [sflag:s5], $0x1  }
0xb2: {  	s4 =	sor.u32 @!p0 s4, s6;
	[sflag:s5] =	ssyncadd.s32 @!p0 $0xFFFFFFFF  }
0xb3: {  	s25 =	simm.s32 $0x1B8E;
	s24 =	sld [smem:$0x3FFE];
	[sflag:s4] =	ssyncadd.remote.s32 @!p0 $0x1  }
0xb4: {  	s26 =	simm.s32 $execute0_lowered;
	[smem:$0x3FD2] =	sst s25  }
0xb5: {  	s5 =	sshll.u32 s26, $0x1;
	_ =	strace $0x80000049;
	[dreg:$0x1] =	wrdreg $0xFFFFFFFF  }
0xb6: {  	s28 =	simm.s32 $_size_execute0_lowered;
	s3 =	sadd.s32 s3, s5;
	[dreg:$0x0] =	wrdreg $0x0  }
0xb7: {  	s5 =	sshll.u32 s28, $0x1;
	[dreg:$0x2] =	wrdreg s3  }
0xb8: {  	[dreg:$0x3] =	wrdreg s5  }
0xb9: {  	[dreg:$0x4] =	wrdreg $0xC0  }
0xba: {  	_ =	task [dreg:s22], $0x5FFFF  }
0xbb: {  	[dreg:$0x1] =	wrdreg $0xFFFFFFFF  }
0xbc: {  	[dreg:$0x0] =	wrdreg $0x60  }
0xbd: {  	[dreg:$0x2] =	wrdreg s24  }
0xbe: {  	[dreg:$0x3] =	wrdreg $0x34000  }
0xbf: {  	[dreg:$0x4] =	wrdreg $0x9  }
0xc0: {  	_ =	task.clear_ibuf [dreg:s22], $0x5FFFF;
	_ =	strace $0x90000049  }
0xc1: {  	s29 =	simm.s32 $0x9;
	_ =	strace $0x8000004B  }
0xc2: {  	_ =	swait.ge [sflag:s29], $0x1  }
0xc3: {  	[sflag:s29] =	ssyncadd.s32 $0xFFFFFFFF  }
0xc4: {  	_ =	strace $0x9000004B  }
0xc5: {  	_ =	sfence  }
0xc6: {  	s30 =	sld [smem:$0x0];
	_ =	sdelay $0x2  }
0xc7: {  	s31 =	sshll.u32 s1, $0xD;
	s1 =	sshrl.u32 s1, $0x2  }
0xc8: {  	s4 =	sand.u32 $0x4000, s31;
	s1 =	sadd.s32 s1, s30  }
0xc9: {  	s0 =	sor.u32 s4, s0;
	s1 =	sshll.u32 s1, $0x11  }
0xca: {  	s0 =	sor.u32 s1, s0  }
0xcb: {  	s0 =	sadd.s32 $0x8F2B, s0  }
0xcc: {  	[sflag:s0] =	ssyncadd.remote.s32 $0x1  }
0xcd: {  	_ =	sfence.sel $0xFFFF  }
0xce: {  	[dreg:$0x0] =	wrdreg $0xFFFFFFFF;
	(pc) =	sbr.abs _section_cstart, $3  }
0xcf: {  	[dreg:$0x1] =	wrdreg $0xFFFFFFFF  }
0xd0: {  	_ =	task.clear_ibuf [dreg:s22], $0x2FFFF;
	_ =	strace $0x9FFFFFFF  }
0xd1: {  	(tm) =	ssettm $0x7FFFFFFF  }
tec
execute0_lowered:
.L_overlay_start_1:
0x0: {  	(tag) =	ssettag $0x1  }
0x1: {  	s1 =	srdreg.scid  }
0x2: {  	s0 =	stileid.u32;
	s5 =	rddreg [dreg:$0x0]  }
0x3: {  	s2 =	rddreg [dreg:$0x1];
	s3 =	simm.s32 $0x0;
	s17 =	simm.s32 $0x3000  }
0x4: {  	s18 =	simm.s32 $0x3;
	s19 =	simm.s32 $0x80;
	s20 =	simm.s32 $0x2800  }
0x5: {  	s21 =	simm.s32 $0x1;
	s22 =	simm.s32 $0x2;
	s8 =	smul.u32 $0x2800, s0  }
0x6: {  	s4 =	sand.u32 $0x1, s1;
	s31 =	sshll.u32 s0, $0x1;
	s9 =	smul.u32 $0xA000, s0  }
0x7: {  	s24 =	simm.s32 $0x0;
	s1 =	sor.u32 s4, s31;
	s7 =	smul.u32 $0x28000, s4  }
0x8: {  	[smem:$0x7FF] =	sst s3;
	s4 =	ssub.s32 $0x2, s4;
	s6 =	smul.u32 $0x500, s1  }
0x9: {  	s1 =	rddreg [dreg:$0x2];
	_ =	strace $0x8000004A;
	s10 =	sshrl.u32 s4, $0x1  }
0xa: {  	s9 =	sshrl.u32 s9, $0x2;
	s23 =	sadd.s32 s8, s2;
	s7 =	sadd.s32 s8, s7  }
0xb: {  	s10 =	ssub.s32 s4, s10;
	s4 =	sadd.s32 s9, s2;
	s23 =	sshrl.u32 s23, $0x3  }
0xc: {  	s6 =	sadd.s32 s6, s5;
	s7 =	sshrl.u32 s7, $0x3;
	s8 =	sadd.s32 $0x400, s4  }
0xd: {  	s9 =	sadd.s32 $0x800, s4;
	s11 =	sadd.s32 $0x1000, s4;
	s12 =	sadd.s32 $0x1400, s4  }
0xe: {  	s13 =	sadd.s32 $0x1800, s4;
	s14 =	sadd.s32 $0x1C00, s4;
	s15 =	sadd.s32 $0x2000, s4  }
0xf: {  	s16 =	sadd.s32 $0x2400, s4;
	s7 =	sadd.s32 s7, s5;
	s5 =	sadd.s32 $0x1C00, s6  }
0x10: {  	v0 =	vimm.f32 $0.0e+00;
	v1 =	vimm.f32 $1.000000000e+00;
	s6 =	sadd.s32 $0x51800, s7;
	s7 =	smax.u32 s10, $0x1;
	s10 =	sadd.s32 $0xC00, s4  }
.LBB2_1:
0x11: {  	s25 =	simm.s32 $0x40;
	s26 =	simm.s32 $0x0  }
.LBB2_2:
0x12: {  	p0 =	sne.s32 s25, $0xFC0;
	[tilespmem:s26+$0x2C00] =	vst v1;
	s28 =	smov.u32 s25;
	s25 =	sadd.s32 $0x40, s25  }
.Ltmp0:
0x13: {  	[tilespmem:s26+$0x3000] =	vst v0;
	(pc) =	sbr.rel @p0 .LBB2_2-.Ltmp0, $2  }
0x14: {  	[tilespmem:s26+$0x2800] =	vst v1;
	_ =	sdelay $0x2  }
0x15: {  	s26 =	sshra.s32 s28, $0x2  }
0x16: {  	[tilespmem:s26+$0x2C00] =	vst v1  }
0x17: {  	[tilespmem:s26+$0x3000] =	vst v0  }
0x18: {  	[tilespmem:s26+$0x2800] =	vst v1  }
0x19: {  	[spmem:s4] =	stream.linear.scatter [tilespmem:s17], [sflag:$0x3], $0x400, $0x38;
	[tilespmem:$0x5C00] =	vst v63  }
0x1a: {  	_ =	swait.ge [sflag:s18], $0x400  }
0x1b: {  	[sflag:s18] =	ssyncset.done $0x0  }
0x1c: {  	[sflag:s18] =	ssyncadd.s32 $0xFFFFFC00  }
0x1d: {  	[spmem:s8] =	stream.linear.scatter [tilespmem:s17], [sflag:$0x3], $0x400, $0x38;
	[tilespmem:$0x5C00] =	vst v63  }
0x1e: {  	_ =	swait.ge [sflag:s18], $0x400  }
0x1f: {  	[sflag:s18] =	ssyncset.done $0x0  }
0x20: {  	[sflag:s18] =	ssyncadd.s32 $0xFFFFFC00  }
0x21: {  	[spmem:s9] =	stream.linear.scatter [tilespmem:s17], [sflag:$0x3], $0x400, $0x38;
	[tilespmem:$0x5C00] =	vst v63  }
0x22: {  	_ =	swait.ge [sflag:s18], $0x400  }
0x23: {  	[sflag:s18] =	ssyncset.done $0x0  }
0x24: {  	[sflag:s18] =	ssyncadd.s32 $0xFFFFFC00  }
0x25: {  	[spmem:s10] =	stream.linear.scatter [tilespmem:s17], [sflag:$0x3], $0x400, $0x38;
	[tilespmem:$0x5C00] =	vst v63  }
0x26: {  	_ =	swait.ge [sflag:s18], $0x400  }
0x27: {  	[sflag:s18] =	ssyncset.done $0x0  }
0x28: {  	[sflag:s18] =	ssyncadd.s32 $0xFFFFFC00  }
0x29: {  	[spmem:s11] =	stream.linear.scatter [tilespmem:s17], [sflag:$0x3], $0x400, $0x38;
	[tilespmem:$0x5C00] =	vst v63  }
0x2a: {  	_ =	swait.ge [sflag:s18], $0x400  }
0x2b: {  	[sflag:s18] =	ssyncset.done $0x0  }
0x2c: {  	[sflag:s18] =	ssyncadd.s32 $0xFFFFFC00  }
0x2d: {  	[spmem:s12] =	stream.linear.scatter [tilespmem:s17], [sflag:$0x3], $0x400, $0x38;
	[tilespmem:$0x5C00] =	vst v63  }
0x2e: {  	_ =	swait.ge [sflag:s18], $0x400  }
0x2f: {  	[sflag:s18] =	ssyncset.done $0x0  }
0x30: {  	[sflag:s18] =	ssyncadd.s32 $0xFFFFFC00  }
0x31: {  	[spmem:s13] =	stream.linear.scatter [tilespmem:s17], [sflag:$0x3], $0x400, $0x38;
	[tilespmem:$0x5C00] =	vst v63  }
0x32: {  	_ =	swait.ge [sflag:s18], $0x400  }
0x33: {  	[sflag:s18] =	ssyncset.done $0x0  }
0x34: {  	[sflag:s18] =	ssyncadd.s32 $0xFFFFFC00  }
0x35: {  	[spmem:s14] =	stream.linear.scatter [tilespmem:s17], [sflag:$0x3], $0x400, $0x38;
	[tilespmem:$0x5C00] =	vst v63  }
0x36: {  	_ =	swait.ge [sflag:s18], $0x400  }
0x37: {  	[sflag:s18] =	ssyncset.done $0x0  }
0x38: {  	[sflag:s18] =	ssyncadd.s32 $0xFFFFFC00  }
0x39: {  	[spmem:s15] =	stream.linear.scatter [tilespmem:s17], [sflag:$0x3], $0x400, $0x38;
	[tilespmem:$0x5C00] =	vst v63  }
0x3a: {  	_ =	swait.ge [sflag:s18], $0x400  }
0x3b: {  	[sflag:s18] =	ssyncset.done $0x0  }
0x3c: {  	[sflag:s18] =	ssyncadd.s32 $0xFFFFFC00  }
0x3d: {  	[spmem:s16] =	stream.linear.scatter [tilespmem:s17], [sflag:$0x3], $0x400, $0x38;
	[tilespmem:$0x5C00] =	vst v63  }
0x3e: {  	_ =	swait.ge [sflag:s18], $0x400  }
0x3f: {  	[sflag:s18] =	ssyncset.done $0x0  }
0x40: {  	[sflag:s18] =	ssyncadd.s32 $0xFFFFFC00  }
0x41: {  	[bflag:$0x0] =	sbarrier.arrive $0xFFFF  }
0x42: {  	[tilespmem:s3], [sflag:$0x3] =	stream.linear.gather [hbm4b:s5+s3], $0x2800, $0x38;
	[tilespmem:$0x5C00] =	vst v63  }
0x43: {  	_ =	swait.ge [sflag:s18], $0x2800  }
0x44: {  	[sflag:s18] =	ssyncset.done $0x0  }
0x45: {  	[sflag:s18] =	ssyncadd.s32 $0xFFFFD800  }
0x46: {  	[spmem:s2] =	stream.indirect.scatter.add.f32 [tilespmem:s20], [sflag:$0x1], $0x10, s3, s19, $0xb8;
	[tilespmem:$0x5C00] =	vst v63  }
0x47: {  	_ = 	snop  }
0x48: {  	[spmem:s2] =	stream.indirect.scatter.add.f32 [tilespmem:s20], [sflag:$0x2], $0x10, s19, s19, $0xb8;
	[tilespmem:$0x5C00] =	vst v63  }
0x49: {  	_ =	swait.ge [sflag:s21], $0x800  }
0x4a: {  	[sflag:s21] =	ssyncset.done $0x0  }
0x4b: {  	s25 =	simm.s32 $0x100;
	[sflag:s21] =	ssyncadd.s32 $0xFFFFF800  }
0x4c: {  	[spmem:s2] =	stream.indirect.scatter.add.f32 [tilespmem:s20], [sflag:$0x1], $0x10, s25, s19, $0xb8;
	[tilespmem:$0x5C00] =	vst v63  }
0x4d: {  	_ =	swait.ge [sflag:s22], $0x800  }
0x4e: {  	[sflag:s22] =	ssyncset.done $0x0  }
0x4f: {  	s26 =	simm.s32 $0x180;
	s25 =	simm.s32 $0xFFFF6800;
	[sflag:s22] =	ssyncadd.s32 $0xFFFFF800  }
.LBB2_4:
0x50: {  	[spmem:s2] =	stream.indirect.scatter.add.f32 [tilespmem:s20], [sflag:$0x2], $0x10, s26, s19, $0xb8;
	[tilespmem:$0x5C00] =	vst v63  }
0x51: {  	s26 =	smov.u32 s25  }
0x52: {  	p0 =	sne.s32 s25, $0xFFFFFC00;
	s25 =	sadd.s32 $0x400, s25;
	_ =	swait.ge [sflag:s21], $0x800  }
0x53: {  	s26 =	sshra.s32 s26, $0x2;
	[sflag:s21] =	ssyncset.done $0x0  }
.Ltmp1:
0x54: {  	s28 =	sadd.s32 $0x2800, s26;
	[sflag:s21] =	ssyncadd.s32 $0xFFFFF800;
	(pc) =	sbr.rel @p0 .LBB2_4-.Ltmp1, $4  }
0x55: {  	[spmem:s2] =	stream.indirect.scatter.add.f32 [tilespmem:s20], [sflag:$0x1], $0x10, s28, s19, $0xb8;
	[tilespmem:$0x5C00] =	vst v63  }
0x56: {  	_ =	swait.ge [sflag:s22], $0x800  }
0x57: {  	[sflag:s22] =	ssyncset.done $0x0  }
0x58: {  	s26 =	sadd.s32 $0x2880, s26;
	[sflag:s22] =	ssyncadd.s32 $0xFFFFF800  }
0x59: {  	[spmem:s2] =	stream.indirect.scatter.add.f32 [tilespmem:s20], [sflag:$0x2], $0x10, s26, s19, $0xb8;
	[tilespmem:$0x5C00] =	vst v63  }
0x5a: {  	_ =	swait.ge [sflag:s21], $0x800  }
0x5b: {  	[sflag:s21] =	ssyncset.done $0x0  }
0x5c: {  	[sflag:s21] =	ssyncadd.s32 $0xFFFFF800  }
0x5d: {  	_ =	swait.ge [sflag:s22], $0x800  }
0x5e: {  	s24 =	sadd.s32 $0x1, s24;
	[sflag:s22] =	ssyncset.done $0x0  }
0x5f: {  	s25 =	sshll.u32 s0, $0x6;
	p0 =	sne.s32 s24, s7;
	[sflag:s22] =	ssyncadd.s32 $0xFFFFF800  }
.Ltmp2:
0x60: {  	s25 =	sor.u32 $0x1C03, s25;
	[bflag:$0x0] =	sbarrier.arrive $0xFFFF;
	(pc) =	sbr.rel @p0 .LBB2_1-.Ltmp2, $4  }
0x61: {  	[hbm:s6], [sflag:s25] =	dma.local [spmem:s23], $0x500  }
0x62: {  	_ =	swait.ge [sflag:s18], $0x500  }
0x63: {  	[sflag:s18] =	ssyncset.done $0x0  }
0x64: {  	[sflag:s18] =	ssyncadd.s32 $0xFFFFFB00  }
0x65: {  	_ =	sfence.sel $0x180000  }
0x66: {  	[bflag:$0x0] =	sbarrier.arrive $0xFFFF  }
0x67: {  	p0 =	sne.s32 s0, $0x0;
	_ =	strace $0x9000004A  }
0x68: {  	s0 =	sadd.s32 @!p0 $0x100000, s1;
	[bflag:$0x2] =	sbarrier.arrive $0xFFFF  }
0x69: {  	[sflag:s0] =	ssyncadd.tile.s32 @!p0 $0x1;
	_ =	shalt  }
.Lfunc_end2:
_tile_overlayer_lowered:
.L_overlay_start_2:
0x6a: {  	(tag) =	ssettag $0x2  }
0x6b: {  	s0 =	rddreg [dreg:$0x0];
	s2 =	stileid.u32  }
0x6c: {  	s1 =	rddreg [dreg:$0x1];
	p0 =	sne.s32 s2, $0x0  }
0x6d: {  	s3 =	rddreg [dreg:$0x2];
	[bflag:$0x3] =	sbarrier.arrive $0xFFFF;
	s2 =	simm.s32 @!p0 $0x1C03  }
0x6e: {  	[timem:s3], [sflag:s2] =	dma.local @!p0 [hbm:s0], s1  }
0x6f: {  	s0 =	simm.s32 @!p0 $0x3  }
0x70: {  	_ =	swait.ge @!p0 [sflag:s0], s1  }
0x71: {  	s1 =	ssub.s32 @!p0 $0x0, s1;
	[sflag:s0] =	ssyncset.done @!p0 $0x0  }
0x72: {  	[sflag:s0] =	ssyncadd.s32 @!p0 s1  }
0x73: {  	[bflag:$0x3] =	sbarrier.arrive $0xFFFF  }
0x74: {  	_ =	shalt  }

</sc_bundles>
